<compile_context>
chip_gen: v7x
topology: tpu7x:2x2x1
jax: 0.10.2.dev20260603
libtpu: 0.0.44.dev20260713+nightly
codegen_flags: <defaults>
</compile_context>

<pallas_src>
import functools

import jax
import jax.numpy as jnp
from jax import lax
from jax.experimental import pallas as pl
from jax.experimental.pallas import tpu as pltpu
from jax.experimental.pallas import tpu_sc as plsc

UN = 256
IN = 256
DE = 64
POS = UN * IN
EDGES = 4096
D1, D2 = 64, 32
DSIDE = 176

NC, NS, L = 2, 16, 16
NW = NC * NS
CHUNK = POS // NW
RB = UN // NW

_SROWS = 4
_SCOLS = POS // _SROWS


def _mm(a, b):
    return lax.dot_general(a, b, (((1,), (0,)), ((), ())),
                           preferred_element_type=jnp.float32)


def _scores_body(uv_ref, w1_ref, b1_ref, w2_ref, b2_ref, out_ref):
    x = uv_ref[...]
    h = jnp.tanh(_mm(x, w1_ref[...]) + b1_ref[...].reshape(1, 8))
    s_row = lax.dot_general(
        w2_ref[...], h, (((0,), (1,)), ((), ())),
        preferred_element_type=jnp.float32) + b2_ref[...].reshape(1, 1)
    out_ref[...] = s_row.reshape(_SCOLS)


def _scores(uv_table, w1, b1, w2, b2):
    return pl.pallas_call(
        _scores_body,
        grid=(_SROWS,),
        in_specs=[
            pl.BlockSpec((_SCOLS, DE), lambda i: (i, 0)),
            pl.BlockSpec((DE, 8), lambda i: (0, 0)),
            pl.BlockSpec((8,), lambda i: (0,)),
            pl.BlockSpec((8, 1), lambda i: (0, 0)),
            pl.BlockSpec((1,), lambda i: (0,)),
        ],
        out_specs=pl.BlockSpec((_SCOLS,), lambda i: (i,)),
        out_shape=jax.ShapeDtypeStruct((POS,), jnp.float32),
    )(uv_table, w1, b1, w2, b2)


_IDX_ROWS = CHUNK // 128


def _sc_rows_body(uv_idx_hbm, user_idx_hbm, item_idx_hbm,
                  uv_table_hbm, user_table_hbm, item_table_hbm,
                  last_social_hbm, user_emb_hbm, poi_emb_hbm,
                  idx_v, lidx_v, lrows_v, ridx_v, rows_v, sem, lsem):
    wid = lax.axis_index("s") * NC + lax.axis_index("c")
    rowbase = wid * _IDX_ROWS
    pltpu.sync_copy(uv_idx_hbm.at[pl.ds(rowbase, _IDX_ROWS)], idx_v)

    lane = lax.iota(jnp.int32, L)
    lidx_v[...] = plsc.load_gather(
        idx_v, [jnp.minimum(lane * 2 + 1, _IDX_ROWS - 1),
                jnp.full((L,), 127, jnp.int32)])
    last_desc = pltpu.async_copy(uv_table_hbm.at[lidx_v], lrows_v, lsem)

    rbase = wid * RB
    last_desc.wait()
    pltpu.sync_copy(lrows_v.at[pl.ds(0, RB)],
                    last_social_hbm.at[pl.ds(rbase, RB)])

    for idx_hbm, table_hbm, out_hbm in (
            (user_idx_hbm, user_table_hbm, user_emb_hbm),
            (item_idx_hbm, item_table_hbm, poi_emb_hbm)):
        pltpu.sync_copy(idx_hbm.at[pl.ds(rbase, RB)], ridx_v)
        pltpu.async_copy(table_hbm.at[ridx_v], rows_v, sem).wait()
        pltpu.sync_copy(rows_v, out_hbm.at[pl.ds(rbase, RB)])


def _sc_logits_body(s_hbm, uv_idx_hbm, w_hbm, idx_v, w_v, sem):
    wid = lax.axis_index("s") * NC + lax.axis_index("c")
    rowbase = wid * _IDX_ROWS
    pltpu.sync_copy(uv_idx_hbm.at[pl.ds(rowbase, _IDX_ROWS)], idx_v)

    descs = [
        pltpu.async_copy(s_hbm.at[idx_v.at[j]], w_v.at[j], sem)
        for j in range(_IDX_ROWS)
    ]
    for d in descs:
        d.wait()
    pltpu.sync_copy(w_v, w_hbm.at[pl.ds(rowbase, _IDX_ROWS)])


@functools.cache
def _sc_rows_kernel():
    return pl.kernel(
        _sc_rows_body,
        out_type=[
            jax.ShapeDtypeStruct((UN, DE), jnp.float32),
            jax.ShapeDtypeStruct((UN, DE), jnp.float32),
            jax.ShapeDtypeStruct((IN, DE), jnp.float32),
        ],
        mesh=plsc.VectorSubcoreMesh(core_axis_name="c", subcore_axis_name="s"),
        compiler_params=pltpu.CompilerParams(
            needs_layout_passes=False, use_tc_tiling_on_sc=False),
        scratch_types=[
            pltpu.VMEM((_IDX_ROWS, 128), jnp.int32),
            pltpu.VMEM((L,), jnp.int32),
            pltpu.VMEM((L, DE), jnp.float32),
            pltpu.VMEM((RB,), jnp.int32),
            pltpu.VMEM((RB, DE), jnp.float32),
            pltpu.SemaphoreType.DMA,
            pltpu.SemaphoreType.DMA,
        ],
    )


@functools.cache
def _sc_logits_kernel():
    return pl.kernel(
        _sc_logits_body,
        out_type=[
            jax.ShapeDtypeStruct((POS // 128, 128), jnp.float32),
        ],
        mesh=plsc.VectorSubcoreMesh(core_axis_name="c", subcore_axis_name="s"),
        compiler_params=pltpu.CompilerParams(
            needs_layout_passes=False, use_tc_tiling_on_sc=False),
        scratch_types=[
            pltpu.VMEM((_IDX_ROWS, 128), jnp.int32),
            pltpu.VMEM((_IDX_ROWS, 128), jnp.float32),
            pltpu.SemaphoreType.DMA,
        ],
    )


_TU = 256


def _fused_body(w_ref, ls_ref, ue_ref, pe_ref, ugu_ref, ugv_ref,
                uW1r, ub1r, uW2r, ub2r, uW3r, ub3r,
                iW1r, ib1r, iW2r, ib2r, iW3r, ib3r,
                l1W_ref, l1b_ref, l2w_ref, l2b_ref, ow_ref, ob_ref,
                score_ref, eu_ref, el_ref, p_s, q_s):
    step = pl.program_id(0)

    @pl.when(step == 0)
    def _prologue():
        w = w_ref[...].reshape(UN, IN)
        m = jnp.max(w, axis=1, keepdims=True)
        e = jnp.exp(w - m)
        se = jnp.sum(e, axis=1, keepdims=True)
        beta_last = e[:, IN - 1:IN] / se
        social2d = ue_ref[...] + jnp.float32(IN) * ls_ref[...] * beta_last

        eye = (lax.broadcasted_iota(jnp.int32, (UN, UN), 0) ==
               lax.broadcasted_iota(jnp.int32, (UN, UN), 1)).astype(
                   jnp.float32)

        def adjacency(edges_ref):
            src_row = edges_ref[0:1, :]
            dst_row = edges_ref[1:2, :]
            dst_t = (lax.broadcasted_iota(jnp.int32, (UN, EDGES), 0)
                     == dst_row).astype(jnp.bfloat16)
            src_t = (lax.broadcasted_iota(jnp.int32, (UN, EDGES), 0)
                     == src_row).astype(jnp.bfloat16)
            a0 = lax.dot_general(dst_t, src_t, (((1,), (1,)), ((), ())),
                                 preferred_element_type=jnp.float32)
            deg = jnp.sum(a0, axis=1, keepdims=True) + 1.0
            dinv = lax.rsqrt(deg)
            return a0 + eye, dinv

        def conv(araw, dinv, x, wr, br):
            agg = _mm(araw, dinv * _mm(x, wr[...]))
            return jnp.maximum(dinv * agg + br[...].reshape(1, -1), 0.0)

        au, dinv_u = adjacency(ugu_ref)
        eu1 = conv(au, dinv_u, social2d, uW1r, ub1r)
        eu2 = conv(au, dinv_u, eu1, uW2r, ub2r)
        eu3 = conv(au, dinv_u, eu2, uW3r, ub3r)
        av, dinv_v = adjacency(ugv_ref)
        pe = pe_ref[...]
        el1 = conv(av, dinv_v, pe, iW1r, ib1r)
        el2 = conv(av, dinv_v, el1, iW2r, ib2r)
        el3 = conv(av, dinv_v, el2, iW3r, ib3r)

        eu = jnp.concatenate([eu1, social2d, eu2, eu1, eu3, eu2], axis=-1)
        el = jnp.concatenate([el1, pe, el2, el1, el3, el2], axis=-1)
        eu_ref[...] = eu
        el_ref[...] = el
        p_s[...] = _mm(eu, l1W_ref[0:DSIDE, :])
        q_s[...] = _mm(el, l1W_ref[DSIDE:2 * DSIDE, :])

    pt = p_s[pl.ds(step * _TU, _TU), :]
    x1 = jnp.maximum(
        pt.reshape(_TU, 1, D1) + q_s[...].reshape(1, IN, D1)
        + l1b_ref[...].reshape(1, 1, D1), 0.0)
    x2 = jnp.maximum(_mm(x1.reshape(_TU * IN, D1), l2w_ref[...])
                     + l2b_ref[...].reshape(1, D2), 0.0)
    s = jnp.sum(x2.reshape(_TU, IN, D2) * ow_ref[...].reshape(1, 1, D2),
                axis=2) + ob_ref[...].reshape(1, 1)
    score_ref[...] = jnp.maximum(s, 0.0)


def _fused(w_flat, last_social, user_emb, poi_emb, ug_u, ug_v, weights):
    (uW1, ub1, uW2, ub2, uW3, ub3, iW1, ib1, iW2, ib2, iW3, ib3,
     l1W, l1b, l2W, l2b, oW, ob) = weights
    full = lambda shape: pl.BlockSpec(shape, lambda i: (0,) * len(shape))
    return pl.pallas_call(
        _fused_body,
        grid=(UN // _TU,),
        in_specs=[
            full((POS // 128, 128)), full((UN, DE)), full((UN, DE)),
            full((IN, DE)),
            full((2, EDGES)), full((2, EDGES)),
            full((DE, 32)), full((32,)), full((32, 16)), full((16,)),
            full((16, 16)), full((16,)),
            full((DE, 32)), full((32,)), full((32, 16)), full((16,)),
            full((16, 16)), full((16,)),
            full((2 * DSIDE, D1)), full((D1,)), full((D1, D2)),
            full((D2,)), full((D2, 1)), full((1,)),
        ],
        out_specs=[
            pl.BlockSpec((_TU, IN), lambda i: (i, 0)),
            full((UN, DSIDE)),
            full((IN, DSIDE)),
        ],
        out_shape=[
            jax.ShapeDtypeStruct((UN, IN), jnp.float32),
            jax.ShapeDtypeStruct((UN, DSIDE), jnp.float32),
            jax.ShapeDtypeStruct((IN, DSIDE), jnp.float32),
        ],
        scratch_shapes=[
            pltpu.VMEM((UN, D1), jnp.float32),
            pltpu.VMEM((IN, D1), jnp.float32),
        ],
    )(w_flat, last_social, user_emb, poi_emb, ug_u, ug_v,
      uW1, ub1, uW2, ub2, uW3, ub3,
      iW1, ib1, iW2, ib2, iW3, ib3,
      l1W, l1b, l2W, l2b, oW, ob)


def kernel(u_v_tensor1d, user_tensor1d, item_tensor1d, ug_u_u2, ug_v_v2,
           u_u_dict, user_table, item_table, uv_table, attn_W1, attn_b1,
           attn_W2, attn_b2, uW1, ub1, uW2, ub2, uW3, ub3, iW1, ib1, iW2,
           ib2, iW3, ib3, l1W, l1b, l2W, l2b, oW, ob):
    uv_idx = u_v_tensor1d.reshape(POS // 128, 128)
    last_social, user_emb, poi_emb = _sc_rows_kernel()(
        uv_idx, user_tensor1d, item_tensor1d,
        uv_table, user_table, item_table)
    s = _scores(uv_table, attn_W1, attn_b1, attn_W2, attn_b2)
    (w_flat,) = _sc_logits_kernel()(s, uv_idx)
    score, eu, el = _fused(
        w_flat, last_social, user_emb, poi_emb,
        ug_u_u2, ug_v_v2,
        (uW1, ub1, uW2, ub2, uW3, ub3, iW1, ib1, iW2, ib2, iW3, ib3,
         l1W, l1b, l2W, l2b, oW, ob))
    return score, eu, el

# --- scband reference (transcript-rebuilt; emitter-appended) ---
"""Pipeline reference for scband-fgcf-42992622633207 (READ-ONLY COPY).

The authoritative reference and input builder live on the scoring server;
editing this copy changes nothing except your own understanding.
"""

import jax, jax.numpy as jnp
import numpy as np

USER_NUM = 256
ITEM_NUM = 256
OUT_DIM = 64
GCN_H = 32
GCN_H2 = 16
GCN_OUT = 16
DENSE1 = 64
DENSE2 = 32


def gcn_conv(x, edge_index, W, b):
    # PyG GCNConv: symmetric-normalized adjacency with self-loops
    N = x.shape[0]
    loop = jnp.arange(N, dtype=edge_index.dtype)
    src = jnp.concatenate([edge_index[0], loop])
    dst = jnp.concatenate([edge_index[1], loop])
    deg = jnp.zeros((N,), dtype=x.dtype).at[dst].add(1.0)
    dinv = jnp.where(deg > 0, deg ** -0.5, 0.0)
    norm = dinv[src] * dinv[dst]
    xw = x @ W
    msg = jnp.take(xw, src, axis=0) * norm[:, None]
    out = jnp.zeros((N, W.shape[1]), dtype=x.dtype).at[dst].add(msg)
    return out + b


def setup_inputs(seed: int = 0):
    key = jax.random.key(seed)
    ks = jax.random.split(key, 40)
    def nrm(k, shape, s):
        return jax.random.normal(k, shape, dtype=jnp.float32) * s
    inp = {}
    inp["u_v_tensor1d"] = jax.random.randint(ks[0], (USER_NUM * ITEM_NUM,), 0, USER_NUM * ITEM_NUM, dtype=jnp.int32)
    inp["user_tensor1d"] = jax.random.randint(ks[1], (USER_NUM,), 0, USER_NUM, dtype=jnp.int32)
    inp["item_tensor1d"] = jax.random.randint(ks[2], (ITEM_NUM,), 0, ITEM_NUM, dtype=jnp.int32)
    inp["ug_u_u2"] = jax.random.randint(ks[3], (2, 4096), 0, USER_NUM, dtype=jnp.int32)
    inp["ug_v_v2"] = jax.random.randint(ks[4], (2, 4096), 0, ITEM_NUM, dtype=jnp.int32)
    inp["u_u_dict"] = jnp.zeros((1,), dtype=jnp.int32)  # unused by forward
    inp["user_table"] = nrm(ks[5], (USER_NUM, OUT_DIM), 1.0)
    inp["item_table"] = nrm(ks[6], (ITEM_NUM, OUT_DIM), 1.0)
    inp["uv_table"] = nrm(ks[7], (USER_NUM * ITEM_NUM, OUT_DIM), 1.0)
    inp["attn_W1"] = nrm(ks[8], (OUT_DIM, 8), 0.1); inp["attn_b1"] = jnp.zeros((8,), jnp.float32)
    inp["attn_W2"] = nrm(ks[9], (8, 1), 0.1); inp["attn_b2"] = jnp.zeros((1,), jnp.float32)
    inp["uW1"] = nrm(ks[10], (OUT_DIM, GCN_H), 0.1); inp["ub1"] = jnp.zeros((GCN_H,), jnp.float32)
    inp["uW2"] = nrm(ks[11], (GCN_H, GCN_H2), 0.1); inp["ub2"] = jnp.zeros((GCN_H2,), jnp.float32)
    inp["uW3"] = nrm(ks[12], (GCN_H2, GCN_OUT), 0.1); inp["ub3"] = jnp.zeros((GCN_OUT,), jnp.float32)
    inp["iW1"] = nrm(ks[13], (OUT_DIM, GCN_H), 0.1); inp["ib1"] = jnp.zeros((GCN_H,), jnp.float32)
    inp["iW2"] = nrm(ks[14], (GCN_H, GCN_H2), 0.1); inp["ib2"] = jnp.zeros((GCN_H2,), jnp.float32)
    inp["iW3"] = nrm(ks[15], (GCN_H2, GCN_OUT), 0.1); inp["ib3"] = jnp.zeros((GCN_OUT,), jnp.float32)
    d_side = OUT_DIM + 2 * GCN_H + 2 * GCN_H2 + GCN_OUT
    inp["l1W"] = nrm(ks[16], (2 * d_side, DENSE1), 0.05); inp["l1b"] = jnp.zeros((DENSE1,), jnp.float32)
    inp["l2W"] = nrm(ks[17], (DENSE1, DENSE2), 0.05); inp["l2b"] = jnp.zeros((DENSE2,), jnp.float32)
    inp["oW"] = nrm(ks[18], (DENSE2, 1), 0.05); inp["ob"] = jnp.zeros((1,), jnp.float32)
    return inp


def reference(u_v_tensor1d, user_tensor1d, item_tensor1d, ug_u_u2, ug_v_v2, u_u_dict,
              user_table, item_table, uv_table, attn_W1, attn_b1, attn_W2, attn_b2,
              uW1, ub1, uW2, ub2, uW3, ub3, iW1, ib1, iW2, ib2, iW3, ib3,
              l1W, l1b, l2W, l2b, oW, ob):
    # dropout layers run as identity (deterministic reference)
    user_emb = jnp.take(user_table, user_tensor1d, axis=0)
    poi_emb = jnp.take(item_table, item_tensor1d, axis=0)
    social = jnp.take(uv_table, u_v_tensor1d, axis=0).reshape(USER_NUM, ITEM_NUM, OUT_DIM)
    # Attention: per-user softmax over items
    w = jnp.tanh(social @ attn_W1 + attn_b1) @ attn_W2 + attn_b2
    beta = jax.nn.softmax(w[..., 0], axis=1)
    # Faithful to the original python loop: every row of social_embed2[u] is
    # overwritten by the LAST item's scaled embedding, then summed over items.
    last_vec = social[:, -1, :] * beta[:, -1][:, None]
    social2d = user_emb + jnp.asarray(ITEM_NUM, jnp.float32) * last_vec
    eu1 = jax.nn.relu(gcn_conv(social2d, ug_u_u2, uW1, ub1))
    eu2 = jax.nn.relu(gcn_conv(eu1, ug_u_u2, uW2, ub2))
    eu3 = jax.nn.relu(gcn_conv(eu2, ug_u_u2, uW3, ub3))
    el1 = jax.nn.relu(gcn_conv(poi_emb, ug_v_v2, iW1, ib1))
    el2 = jax.nn.relu(gcn_conv(el1, ug_v_v2, iW2, ib2))
    el3 = jax.nn.relu(gcn_conv(el2, ug_v_v2, iW3, ib3))
    eu = jnp.concatenate([eu1, social2d, eu2, eu1, eu3, eu2], axis=-1)
    el = jnp.concatenate([el1, poi_emb, el2, el1, el3, el2], axis=-1)
    U = jnp.broadcast_to(eu[:, None, :], (USER_NUM, ITEM_NUM, eu.shape[-1]))
    V = jnp.broadcast_to(el[None, :, :], (USER_NUM, ITEM_NUM, el.shape[-1]))
    cat = jnp.concatenate([U, V], axis=-1).reshape(USER_NUM * ITEM_NUM, -1)
    x = jax.nn.relu(cat @ l1W + l1b)
    x = jax.nn.relu(x @ l2W + l2b)
    score = jax.nn.relu(x @ oW + ob).reshape(USER_NUM, ITEM_NUM)
    return (score, eu, el)

if __name__ == "__main__":
    import jax
    _d = setup_inputs()
    print(jax.jit(kernel)(*tuple(_d.values())))

</pallas_src>

<mosaic_0001>
#map = affine_map<(d0, d1) -> (0, 0)>
#map1 = affine_map<(d0, d1) -> (0)>
module attributes {stable_mosaic.version = 14 : i64} {
  func.func @_sc_rows_body(%arg0: i32, %arg1: i32, %arg2: memref<512x128xi32, #tpu.memory_space<hbm>>, %arg3: memref<256xi32, #tpu.memory_space<hbm>>, %arg4: memref<256xi32, #tpu.memory_space<hbm>>, %arg5: memref<65536x64xf32, #tpu.memory_space<hbm>>, %arg6: memref<256x64xf32, #tpu.memory_space<hbm>>, %arg7: memref<256x64xf32, #tpu.memory_space<hbm>>, %arg8: memref<256x64xf32, #tpu.memory_space<hbm>>, %arg9: memref<256x64xf32, #tpu.memory_space<hbm>>, %arg10: memref<256x64xf32, #tpu.memory_space<hbm>>, %arg11: memref<16x128xi32, #tpu.memory_space<vmem>>, %arg12: memref<16xi32, #tpu.memory_space<vmem>>, %arg13: memref<16x64xf32, #tpu.memory_space<vmem>>, %arg14: memref<8xi32, #tpu.memory_space<vmem>>, %arg15: memref<8x64xf32, #tpu.memory_space<vmem>>, %arg16: memref<!tpu.dma_semaphore, #tpu.memory_space<semaphore_mem>>, %arg17: memref<!tpu.dma_semaphore, #tpu.memory_space<semaphore_mem>>) attributes {dimension_semantics = [#tpu.dimension_semantics<core_parallel>, #tpu.dimension_semantics<subcore_parallel>], iteration_bounds = array<i64: 2, 16>, scalar_prefetch = 0 : i64, scratch_operands = 7 : i64, tpu.core_type = #tpu.core_type<sc_vector_subcore>, window_params = [{transform_indices = #map}, {transform_indices = #map1}, {transform_indices = #map1}, {transform_indices = #map}, {transform_indices = #map}, {transform_indices = #map}, {transform_indices = #map}, {transform_indices = #map}, {transform_indices = #map}]} {
    %mul3A = arith.constant 2 : i32
    %mul3A_0 = arith.muli %arg1, %mul3A : i32
    %add3A = arith.addi %mul3A_0, %arg0 : i32
    %mul3A_1 = arith.constant 16 : i32
    %mul3A_2 = arith.muli %add3A, %mul3A_1 : i32
    "tpu.region"() ({
      %run_scoped3A = tpu.sem_alloc : memref<!tpu.dma_semaphore, #tpu.memory_space<semaphore_mem>>
      %dma_start3A_31 = arith.constant 0 : i32
      %dma_start3A_32 = tpu.memref_slice %arg2[%mul3A_2, %dma_start3A_31] : memref<512x128xi32, #tpu.memory_space<hbm>> -> memref<16x128xi32, #tpu.memory_space<hbm>>
      %dma_start3A_33 = arith.constant 0 : i32
      %dma_start3A_34 = tpu.memref_slice %arg2[%mul3A_2, %dma_start3A_33] : memref<512x128xi32, #tpu.memory_space<hbm>> -> memref<16x128xi32, #tpu.memory_space<hbm>>
      tpu.enqueue_dma source(%dma_start3A_34 : memref<16x128xi32, #tpu.memory_space<hbm>>) target(%arg11 : memref<16x128xi32, #tpu.memory_space<vmem>>) target_semaphore(%run_scoped3A : memref<!tpu.dma_semaphore, #tpu.memory_space<semaphore_mem>>)
      %dma_wait3A_35 = arith.constant 0 : i32
      %dma_wait3A_36 = tpu.memref_slice %arg2[%mul3A_2, %dma_wait3A_35] : memref<512x128xi32, #tpu.memory_space<hbm>> -> memref<16x128xi32, #tpu.memory_space<hbm>>
      %dma_wait3A_37 = arith.constant 0 : i32
      %dma_wait3A_38 = tpu.memref_slice %arg2[%mul3A_2, %dma_wait3A_37] : memref<512x128xi32, #tpu.memory_space<hbm>> -> memref<16x128xi32, #tpu.memory_space<hbm>>
      tpu.wait_dma2 semaphore(%run_scoped3A : memref<!tpu.dma_semaphore, #tpu.memory_space<semaphore_mem>>) src(%dma_wait3A_38 : memref<16x128xi32, #tpu.memory_space<hbm>>) dst(%arg11 : memref<16x128xi32, #tpu.memory_space<vmem>>)
      tpu.yield
    }) : () -> ()
    %iota3A = tpu.iota {dimensions = array<i32: 0>} : vector<16xi32>
    %mul3A_3 = arith.constant 2 : i32
    %mul3A_4 = vector.broadcast %mul3A_3 : i32 to vector<16xi32>
    %mul3A_5 = arith.muli %iota3A, %mul3A_4 : vector<16xi32>
    %add3A_6 = arith.constant 1 : i32
    %add3A_7 = vector.broadcast %add3A_6 : i32 to vector<16xi32>
    %add3A_8 = arith.addi %mul3A_5, %add3A_7 : vector<16xi32>
    %min3A = arith.constant 15 : i32
    %min3A_9 = vector.broadcast %min3A : i32 to vector<16xi32>
    %min3A_10 = arith.minsi %add3A_8, %min3A_9 : vector<16xi32>
    %broadcast_in_dim3A = arith.constant 127 : i32
    %broadcast_in_dim3A_11 = vector.broadcast %broadcast_in_dim3A : i32 to vector<16xi32>
    %gather3A = tpu.vector_load_idx %arg11[%min3A_10, %broadcast_in_dim3A_11] : memref<16x128xi32, #tpu.memory_space<vmem>>[vector<16xi32>, vector<16xi32>], vector<16xi32>,
    %swap3A = arith.constant 0 : index
    %swap3A_12 = tpu.vector_load %arg12[%swap3A] {strides = array<i32>} : memref<16xi32, #tpu.memory_space<vmem>>, vector<16xi32>,
    tpu.vector_store %arg12[%swap3A], %gather3A {strides = array<i32>} : memref<16xi32, #tpu.memory_space<vmem>>, vector<16xi32>,
    %dma_start3A = arith.constant 0 : i32
    %dma_start3A_13 = arith.constant 0 : i32
    %dma_start3A_14 = tpu.memref_slice %arg5[%dma_start3A, %dma_start3A_13] : memref<65536x64xf32, #tpu.memory_space<hbm>> -> memref<65536x64xf32, #tpu.memory_space<hbm>>
    tpu.enqueue_indirect_dma source(%dma_start3A_14 : memref<65536x64xf32, #tpu.memory_space<hbm>>) target(%arg13 : memref<16x64xf32, #tpu.memory_space<vmem>>) offsets(%arg12 : memref<16xi32, #tpu.memory_space<vmem>>) semaphore(%arg17 : memref<!tpu.dma_semaphore, #tpu.memory_space<semaphore_mem>>)
    %mul3A_15 = arith.constant 8 : i32
    %mul3A_16 = arith.muli %add3A, %mul3A_15 : i32
    %dma_wait3A = arith.constant 0 : i32
    %dma_wait3A_17 = arith.constant 0 : i32
    %dma_wait3A_18 = tpu.memref_slice %arg5[%dma_wait3A, %dma_wait3A_17] : memref<65536x64xf32, #tpu.memory_space<hbm>> -> memref<65536x64xf32, #tpu.memory_space<hbm>>
    tpu.wait_indirect_dma semaphore(%arg17 : memref<!tpu.dma_semaphore, #tpu.memory_space<semaphore_mem>>) src(%dma_wait3A_18 : memref<65536x64xf32, #tpu.memory_space<hbm>>) dst(%arg13 : memref<16x64xf32, #tpu.memory_space<vmem>>)
    "tpu.region"() ({
      %run_scoped3A = tpu.sem_alloc : memref<!tpu.dma_semaphore, #tpu.memory_space<semaphore_mem>>
      %dma_start3A_31 = arith.constant 0 : i32
      %dma_start3A_32 = arith.constant 0 : i32
      %dma_start3A_33 = tpu.memref_slice %arg13[%dma_start3A_31, %dma_start3A_32] : memref<16x64xf32, #tpu.memory_space<vmem>> -> memref<8x64xf32, #tpu.memory_space<vmem>>
      %dma_start3A_34 = arith.constant 0 : i32
      %dma_start3A_35 = tpu.memref_slice %arg8[%mul3A_16, %dma_start3A_34] : memref<256x64xf32, #tpu.memory_space<hbm>> -> memref<8x64xf32, #tpu.memory_space<hbm>>
      %dma_start3A_36 = arith.constant 0 : i32
      %dma_start3A_37 = tpu.memref_slice %arg8[%mul3A_16, %dma_start3A_36] : memref<256x64xf32, #tpu.memory_space<hbm>> -> memref<8x64xf32, #tpu.memory_space<hbm>>
      %dma_start3A_38 = arith.constant 0 : i32
      %dma_start3A_39 = arith.constant 0 : i32
      %dma_start3A_40 = tpu.memref_slice %arg13[%dma_start3A_38, %dma_start3A_39] : memref<16x64xf32, #tpu.memory_space<vmem>> -> memref<8x64xf32, #tpu.memory_space<vmem>>
      tpu.enqueue_dma source(%dma_start3A_40 : memref<8x64xf32, #tpu.memory_space<vmem>>) target(%dma_start3A_37 : memref<8x64xf32, #tpu.memory_space<hbm>>) target_semaphore(%run_scoped3A : memref<!tpu.dma_semaphore, #tpu.memory_space<semaphore_mem>>)
      %dma_wait3A_41 = arith.constant 0 : i32
      %dma_wait3A_42 = arith.constant 0 : i32
      %dma_wait3A_43 = tpu.memref_slice %arg13[%dma_wait3A_41, %dma_wait3A_42] : memref<16x64xf32, #tpu.memory_space<vmem>> -> memref<8x64xf32, #tpu.memory_space<vmem>>
      %dma_wait3A_44 = arith.constant 0 : i32
      %dma_wait3A_45 = tpu.memref_slice %arg8[%mul3A_16, %dma_wait3A_44] : memref<256x64xf32, #tpu.memory_space<hbm>> -> memref<8x64xf32, #tpu.memory_space<hbm>>
      %dma_wait3A_46 = arith.constant 0 : i32
      %dma_wait3A_47 = tpu.memref_slice %arg8[%mul3A_16, %dma_wait3A_46] : memref<256x64xf32, #tpu.memory_space<hbm>> -> memref<8x64xf32, #tpu.memory_space<hbm>>
      %dma_wait3A_48 = arith.constant 0 : i32
      %dma_wait3A_49 = arith.constant 0 : i32
      %dma_wait3A_50 = tpu.memref_slice %arg13[%dma_wait3A_48, %dma_wait3A_49] : memref<16x64xf32, #tpu.memory_space<vmem>> -> memref<8x64xf32, #tpu.memory_space<vmem>>
      tpu.wait_dma2 semaphore(%run_scoped3A : memref<!tpu.dma_semaphore, #tpu.memory_space<semaphore_mem>>) src(%dma_wait3A_50 : memref<8x64xf32, #tpu.memory_space<vmem>>) dst(%dma_wait3A_47 : memref<8x64xf32, #tpu.memory_space<hbm>>)
      tpu.yield
    }) : () -> ()
    "tpu.region"() ({
      %run_scoped3A = tpu.sem_alloc : memref<!tpu.dma_semaphore, #tpu.memory_space<semaphore_mem>>
      %dma_start3A_31 = tpu.memref_slice %arg3[%mul3A_16] : memref<256xi32, #tpu.memory_space<hbm>> -> memref<8xi32, #tpu.memory_space<hbm>>
      %dma_start3A_32 = tpu.memref_slice %arg3[%mul3A_16] : memref<256xi32, #tpu.memory_space<hbm>> -> memref<8xi32, #tpu.memory_space<hbm>>
      tpu.enqueue_dma source(%dma_start3A_32 : memref<8xi32, #tpu.memory_space<hbm>>) target(%arg14 : memref<8xi32, #tpu.memory_space<vmem>>) target_semaphore(%run_scoped3A : memref<!tpu.dma_semaphore, #tpu.memory_space<semaphore_mem>>)
      %dma_wait3A_33 = tpu.memref_slice %arg3[%mul3A_16] : memref<256xi32, #tpu.memory_space<hbm>> -> memref<8xi32, #tpu.memory_space<hbm>>
      %dma_wait3A_34 = tpu.memref_slice %arg3[%mul3A_16] : memref<256xi32, #tpu.memory_space<hbm>> -> memref<8xi32, #tpu.memory_space<hbm>>
      tpu.wait_dma2 semaphore(%run_scoped3A : memref<!tpu.dma_semaphore, #tpu.memory_space<semaphore_mem>>) src(%dma_wait3A_34 : memref<8xi32, #tpu.memory_space<hbm>>) dst(%arg14 : memref<8xi32, #tpu.memory_space<vmem>>)
      tpu.yield
    }) : () -> ()
    %dma_start3A_19 = arith.constant 0 : i32
    %dma_start3A_20 = arith.constant 0 : i32
    %dma_start3A_21 = tpu.memref_slice %arg6[%dma_start3A_19, %dma_start3A_20] : memref<256x64xf32, #tpu.memory_space<hbm>> -> memref<256x64xf32, #tpu.memory_space<hbm>>
    tpu.enqueue_indirect_dma source(%dma_start3A_21 : memref<256x64xf32, #tpu.memory_space<hbm>>) target(%arg15 : memref<8x64xf32, #tpu.memory_space<vmem>>) offsets(%arg14 : memref<8xi32, #tpu.memory_space<vmem>>) semaphore(%arg16 : memref<!tpu.dma_semaphore, #tpu.memory_space<semaphore_mem>>)
    %dma_wait3A_22 = arith.constant 0 : i32
    %dma_wait3A_23 = arith.constant 0 : i32
    %dma_wait3A_24 = tpu.memref_slice %arg6[%dma_wait3A_22, %dma_wait3A_23] : memref<256x64xf32, #tpu.memory_space<hbm>> -> memref<256x64xf32, #tpu.memory_space<hbm>>
    tpu.wait_indirect_dma semaphore(%arg16 : memref<!tpu.dma_semaphore, #tpu.memory_space<semaphore_mem>>) src(%dma_wait3A_24 : memref<256x64xf32, #tpu.memory_space<hbm>>) dst(%arg15 : memref<8x64xf32, #tpu.memory_space<vmem>>)
    "tpu.region"() ({
      %run_scoped3A = tpu.sem_alloc : memref<!tpu.dma_semaphore, #tpu.memory_space<semaphore_mem>>
      %dma_start3A_31 = arith.constant 0 : i32
      %dma_start3A_32 = tpu.memref_slice %arg9[%mul3A_16, %dma_start3A_31] : memref<256x64xf32, #tpu.memory_space<hbm>> -> memref<8x64xf32, #tpu.memory_space<hbm>>
      %dma_start3A_33 = arith.constant 0 : i32
      %dma_start3A_34 = tpu.memref_slice %arg9[%mul3A_16, %dma_start3A_33] : memref<256x64xf32, #tpu.memory_space<hbm>> -> memref<8x64xf32, #tpu.memory_space<hbm>>
      tpu.enqueue_dma source(%arg15 : memref<8x64xf32, #tpu.memory_space<vmem>>) target(%dma_start3A_34 : memref<8x64xf32, #tpu.memory_space<hbm>>) target_semaphore(%run_scoped3A : memref<!tpu.dma_semaphore, #tpu.memory_space<semaphore_mem>>)
      %dma_wait3A_35 = arith.constant 0 : i32
      %dma_wait3A_36 = tpu.memref_slice %arg9[%mul3A_16, %dma_wait3A_35] : memref<256x64xf32, #tpu.memory_space<hbm>> -> memref<8x64xf32, #tpu.memory_space<hbm>>
      %dma_wait3A_37 = arith.constant 0 : i32
      %dma_wait3A_38 = tpu.memref_slice %arg9[%mul3A_16, %dma_wait3A_37] : memref<256x64xf32, #tpu.memory_space<hbm>> -> memref<8x64xf32, #tpu.memory_space<hbm>>
      tpu.wait_dma2 semaphore(%run_scoped3A : memref<!tpu.dma_semaphore, #tpu.memory_space<semaphore_mem>>) src(%arg15 : memref<8x64xf32, #tpu.memory_space<vmem>>) dst(%dma_wait3A_38 : memref<8x64xf32, #tpu.memory_space<hbm>>)
      tpu.yield
    }) : () -> ()
    "tpu.region"() ({
      %run_scoped3A = tpu.sem_alloc : memref<!tpu.dma_semaphore, #tpu.memory_space<semaphore_mem>>
      %dma_start3A_31 = tpu.memref_slice %arg4[%mul3A_16] : memref<256xi32, #tpu.memory_space<hbm>> -> memref<8xi32, #tpu.memory_space<hbm>>
      %dma_start3A_32 = tpu.memref_slice %arg4[%mul3A_16] : memref<256xi32, #tpu.memory_space<hbm>> -> memref<8xi32, #tpu.memory_space<hbm>>
      tpu.enqueue_dma source(%dma_start3A_32 : memref<8xi32, #tpu.memory_space<hbm>>) target(%arg14 : memref<8xi32, #tpu.memory_space<vmem>>) target_semaphore(%run_scoped3A : memref<!tpu.dma_semaphore, #tpu.memory_space<semaphore_mem>>)
      %dma_wait3A_33 = tpu.memref_slice %arg4[%mul3A_16] : memref<256xi32, #tpu.memory_space<hbm>> -> memref<8xi32, #tpu.memory_space<hbm>>
      %dma_wait3A_34 = tpu.memref_slice %arg4[%mul3A_16] : memref<256xi32, #tpu.memory_space<hbm>> -> memref<8xi32, #tpu.memory_space<hbm>>
      tpu.wait_dma2 semaphore(%run_scoped3A : memref<!tpu.dma_semaphore, #tpu.memory_space<semaphore_mem>>) src(%dma_wait3A_34 : memref<8xi32, #tpu.memory_space<hbm>>) dst(%arg14 : memref<8xi32, #tpu.memory_space<vmem>>)
      tpu.yield
    }) : () -> ()
    %dma_start3A_25 = arith.constant 0 : i32
    %dma_start3A_26 = arith.constant 0 : i32
    %dma_start3A_27 = tpu.memref_slice %arg7[%dma_start3A_25, %dma_start3A_26] : memref<256x64xf32, #tpu.memory_space<hbm>> -> memref<256x64xf32, #tpu.memory_space<hbm>>
    tpu.enqueue_indirect_dma source(%dma_start3A_27 : memref<256x64xf32, #tpu.memory_space<hbm>>) target(%arg15 : memref<8x64xf32, #tpu.memory_space<vmem>>) offsets(%arg14 : memref<8xi32, #tpu.memory_space<vmem>>) semaphore(%arg16 : memref<!tpu.dma_semaphore, #tpu.memory_space<semaphore_mem>>)
    %dma_wait3A_28 = arith.constant 0 : i32
    %dma_wait3A_29 = arith.constant 0 : i32
    %dma_wait3A_30 = tpu.memref_slice %arg7[%dma_wait3A_28, %dma_wait3A_29] : memref<256x64xf32, #tpu.memory_space<hbm>> -> memref<256x64xf32, #tpu.memory_space<hbm>>
    tpu.wait_indirect_dma semaphore(%arg16 : memref<!tpu.dma_semaphore, #tpu.memory_space<semaphore_mem>>) src(%dma_wait3A_30 : memref<256x64xf32, #tpu.memory_space<hbm>>) dst(%arg15 : memref<8x64xf32, #tpu.memory_space<vmem>>)
    "tpu.region"() ({
      %run_scoped3A = tpu.sem_alloc : memref<!tpu.dma_semaphore, #tpu.memory_space<semaphore_mem>>
      %dma_start3A_31 = arith.constant 0 : i32
      %dma_start3A_32 = tpu.memref_slice %arg10[%mul3A_16, %dma_start3A_31] : memref<256x64xf32, #tpu.memory_space<hbm>> -> memref<8x64xf32, #tpu.memory_space<hbm>>
      %dma_start3A_33 = arith.constant 0 : i32
      %dma_start3A_34 = tpu.memref_slice %arg10[%mul3A_16, %dma_start3A_33] : memref<256x64xf32, #tpu.memory_space<hbm>> -> memref<8x64xf32, #tpu.memory_space<hbm>>
      tpu.enqueue_dma source(%arg15 : memref<8x64xf32, #tpu.memory_space<vmem>>) target(%dma_start3A_34 : memref<8x64xf32, #tpu.memory_space<hbm>>) target_semaphore(%run_scoped3A : memref<!tpu.dma_semaphore, #tpu.memory_space<semaphore_mem>>)
      %dma_wait3A_35 = arith.constant 0 : i32
      %dma_wait3A_36 = tpu.memref_slice %arg10[%mul3A_16, %dma_wait3A_35] : memref<256x64xf32, #tpu.memory_space<hbm>> -> memref<8x64xf32, #tpu.memory_space<hbm>>
      %dma_wait3A_37 = arith.constant 0 : i32
      %dma_wait3A_38 = tpu.memref_slice %arg10[%mul3A_16, %dma_wait3A_37] : memref<256x64xf32, #tpu.memory_space<hbm>> -> memref<8x64xf32, #tpu.memory_space<hbm>>
      tpu.wait_dma2 semaphore(%run_scoped3A : memref<!tpu.dma_semaphore, #tpu.memory_space<semaphore_mem>>) src(%arg15 : memref<8x64xf32, #tpu.memory_space<vmem>>) dst(%dma_wait3A_38 : memref<8x64xf32, #tpu.memory_space<hbm>>)
      tpu.yield
    }) : () -> ()
    return
  }
}

#map = affine_map<(d0, d1) -> (0)>
#map1 = affine_map<(d0, d1) -> (0, 0)>
module attributes {stable_mosaic.version = 14 : i64} {
  func.func @_sc_logits_body(%arg0: i32, %arg1: i32, %arg2: memref<65536xf32, #tpu.memory_space<hbm>>, %arg3: memref<512x128xi32, #tpu.memory_space<hbm>>, %arg4: memref<512x128xf32, #tpu.memory_space<hbm>>, %arg5: memref<16x128xi32, #tpu.memory_space<vmem>>, %arg6: memref<16x128xf32, #tpu.memory_space<vmem>>, %arg7: memref<!tpu.dma_semaphore, #tpu.memory_space<semaphore_mem>>) attributes {dimension_semantics = [#tpu.dimension_semantics<core_parallel>, #tpu.dimension_semantics<subcore_parallel>], iteration_bounds = array<i64: 2, 16>, scalar_prefetch = 0 : i64, scratch_operands = 3 : i64, tpu.core_type = #tpu.core_type<sc_vector_subcore>, window_params = [{transform_indices = #map}, {transform_indices = #map1}, {transform_indices = #map1}]} {
    %mul3A = arith.constant 2 : i32
    %mul3A_0 = arith.muli %arg1, %mul3A : i32
    %add3A = arith.addi %mul3A_0, %arg0 : i32
    %mul3A_1 = arith.constant 16 : i32
    %mul3A_2 = arith.muli %add3A, %mul3A_1 : i32
    "tpu.region"() ({
      %run_scoped3A = tpu.sem_alloc : memref<!tpu.dma_semaphore, #tpu.memory_space<semaphore_mem>>
      %dma_start3A_321 = arith.constant 0 : i32
      %dma_start3A_322 = tpu.memref_slice %arg3[%mul3A_2, %dma_start3A_321] : memref<512x128xi32, #tpu.memory_space<hbm>> -> memref<16x128xi32, #tpu.memory_space<hbm>>
      %dma_start3A_323 = arith.constant 0 : i32
      %dma_start3A_324 = tpu.memref_slice %arg3[%mul3A_2, %dma_start3A_323] : memref<512x128xi32, #tpu.memory_space<hbm>> -> memref<16x128xi32, #tpu.memory_space<hbm>>
      tpu.enqueue_dma source(%dma_start3A_324 : memref<16x128xi32, #tpu.memory_space<hbm>>) target(%arg5 : memref<16x128xi32, #tpu.memory_space<vmem>>) target_semaphore(%run_scoped3A : memref<!tpu.dma_semaphore, #tpu.memory_space<semaphore_mem>>)
      %dma_wait3A_325 = arith.constant 0 : i32
      %dma_wait3A_326 = tpu.memref_slice %arg3[%mul3A_2, %dma_wait3A_325] : memref<512x128xi32, #tpu.memory_space<hbm>> -> memref<16x128xi32, #tpu.memory_space<hbm>>
      %dma_wait3A_327 = arith.constant 0 : i32
      %dma_wait3A_328 = tpu.memref_slice %arg3[%mul3A_2, %dma_wait3A_327] : memref<512x128xi32, #tpu.memory_space<hbm>> -> memref<16x128xi32, #tpu.memory_space<hbm>>
      tpu.wait_dma2 semaphore(%run_scoped3A : memref<!tpu.dma_semaphore, #tpu.memory_space<semaphore_mem>>) src(%dma_wait3A_328 : memref<16x128xi32, #tpu.memory_space<hbm>>) dst(%arg5 : memref<16x128xi32, #tpu.memory_space<vmem>>)
      tpu.yield
    }) : () -> ()
    %dma_start3A = arith.constant 0 : i32
    %dma_start3A_3 = arith.constant 0 : i32
    %dma_start3A_4 = arith.constant 0 : i32
    %dma_start3A_5 = tpu.memref_slice %arg6[%dma_start3A_3, %dma_start3A_4] : memref<16x128xf32, #tpu.memory_space<vmem>> -> memref<1x128xf32, #tpu.memory_space<vmem>>
    %dma_start3A_6 = tpu.memref_squeeze %dma_start3A_5 : memref<1x128xf32, #tpu.memory_space<vmem>> -> memref<128xf32, #tpu.memory_space<vmem>>
    %dma_start3A_7 = arith.constant 0 : i32
    %dma_start3A_8 = tpu.memref_slice %arg5[%dma_start3A, %dma_start3A_7] : memref<16x128xi32, #tpu.memory_space<vmem>> -> memref<1x128xi32, #tpu.memory_space<vmem>>
    %dma_start3A_9 = tpu.memref_squeeze %dma_start3A_8 : memref<1x128xi32, #tpu.memory_space<vmem>> -> memref<128xi32, #tpu.memory_space<vmem>>
    %dma_start3A_10 = arith.constant 0 : i32
    %dma_start3A_11 = tpu.memref_slice %arg2[%dma_start3A_10] : memref<65536xf32, #tpu.memory_space<hbm>> -> memref<65536xf32, #tpu.memory_space<hbm>>
    tpu.enqueue_indirect_dma source(%dma_start3A_11 : memref<65536xf32, #tpu.memory_space<hbm>>) target(%dma_start3A_6 : memref<128xf32, #tpu.memory_space<vmem>>) offsets(%dma_start3A_9 : memref<128xi32, #tpu.memory_space<vmem>>) semaphore(%arg7 : memref<!tpu.dma_semaphore, #tpu.memory_space<semaphore_mem>>)
    %dma_start3A_12 = arith.constant 1 : i32
    %dma_start3A_13 = arith.constant 1 : i32
    %dma_start3A_14 = arith.constant 0 : i32
    %dma_start3A_15 = tpu.memref_slice %arg6[%dma_start3A_13, %dma_start3A_14] : memref<16x128xf32, #tpu.memory_space<vmem>> -> memref<1x128xf32, #tpu.memory_space<vmem>>
    %dma_start3A_16 = tpu.memref_squeeze %dma_start3A_15 : memref<1x128xf32, #tpu.memory_space<vmem>> -> memref<128xf32, #tpu.memory_space<vmem>>
    %dma_start3A_17 = arith.constant 0 : i32
    %dma_start3A_18 = tpu.memref_slice %arg5[%dma_start3A_12, %dma_start3A_17] : memref<16x128xi32, #tpu.memory_space<vmem>> -> memref<1x128xi32, #tpu.memory_space<vmem>>
    %dma_start3A_19 = tpu.memref_squeeze %dma_start3A_18 : memref<1x128xi32, #tpu.memory_space<vmem>> -> memref<128xi32, #tpu.memory_space<vmem>>
    %dma_start3A_20 = arith.constant 0 : i32
    %dma_start3A_21 = tpu.memref_slice %arg2[%dma_start3A_20] : memref<65536xf32, #tpu.memory_space<hbm>> -> memref<65536xf32, #tpu.memory_space<hbm>>
    tpu.enqueue_indirect_dma source(%dma_start3A_21 : memref<65536xf32, #tpu.memory_space<hbm>>) target(%dma_start3A_16 : memref<128xf32, #tpu.memory_space<vmem>>) offsets(%dma_start3A_19 : memref<128xi32, #tpu.memory_space<vmem>>) semaphore(%arg7 : memref<!tpu.dma_semaphore, #tpu.memory_space<semaphore_mem>>)
    %dma_start3A_22 = arith.constant 2 : i32
    %dma_start3A_23 = arith.constant 2 : i32
    %dma_start3A_24 = arith.constant 0 : i32
    %dma_start3A_25 = tpu.memref_slice %arg6[%dma_start3A_23, %dma_start3A_24] : memref<16x128xf32, #tpu.memory_space<vmem>> -> memref<1x128xf32, #tpu.memory_space<vmem>>
    %dma_start3A_26 = tpu.memref_squeeze %dma_start3A_25 : memref<1x128xf32, #tpu.memory_space<vmem>> -> memref<128xf32, #tpu.memory_space<vmem>>
    %dma_start3A_27 = arith.constant 0 : i32
    %dma_start3A_28 = tpu.memref_slice %arg5[%dma_start3A_22, %dma_start3A_27] : memref<16x128xi32, #tpu.memory_space<vmem>> -> memref<1x128xi32, #tpu.memory_space<vmem>>
    %dma_start3A_29 = tpu.memref_squeeze %dma_start3A_28 : memref<1x128xi32, #tpu.memory_space<vmem>> -> memref<128xi32, #tpu.memory_space<vmem>>
    %dma_start3A_30 = arith.constant 0 : i32
    %dma_start3A_31 = tpu.memref_slice %arg2[%dma_start3A_30] : memref<65536xf32, #tpu.memory_space<hbm>> -> memref<65536xf32, #tpu.memory_space<hbm>>
    tpu.enqueue_indirect_dma source(%dma_start3A_31 : memref<65536xf32, #tpu.memory_space<hbm>>) target(%dma_start3A_26 : memref<128xf32, #tpu.memory_space<vmem>>) offsets(%dma_start3A_29 : memref<128xi32, #tpu.memory_space<vmem>>) semaphore(%arg7 : memref<!tpu.dma_semaphore, #tpu.memory_space<semaphore_mem>>)
    %dma_start3A_32 = arith.constant 3 : i32
    %dma_start3A_33 = arith.constant 3 : i32
    %dma_start3A_34 = arith.constant 0 : i32
    %dma_start3A_35 = tpu.memref_slice %arg6[%dma_start3A_33, %dma_start3A_34] : memref<16x128xf32, #tpu.memory_space<vmem>> -> memref<1x128xf32, #tpu.memory_space<vmem>>
    %dma_start3A_36 = tpu.memref_squeeze %dma_start3A_35 : memref<1x128xf32, #tpu.memory_space<vmem>> -> memref<128xf32, #tpu.memory_space<vmem>>
    %dma_start3A_37 = arith.constant 0 : i32
    %dma_start3A_38 = tpu.memref_slice %arg5[%dma_start3A_32, %dma_start3A_37] : memref<16x128xi32, #tpu.memory_space<vmem>> -> memref<1x128xi32, #tpu.memory_space<vmem>>
    %dma_start3A_39 = tpu.memref_squeeze %dma_start3A_38 : memref<1x128xi32, #tpu.memory_space<vmem>> -> memref<128xi32, #tpu.memory_space<vmem>>
    %dma_start3A_40 = arith.constant 0 : i32
    %dma_start3A_41 = tpu.memref_slice %arg2[%dma_start3A_40] : memref<65536xf32, #tpu.memory_space<hbm>> -> memref<65536xf32, #tpu.memory_space<hbm>>
    tpu.enqueue_indirect_dma source(%dma_start3A_41 : memref<65536xf32, #tpu.memory_space<hbm>>) target(%dma_start3A_36 : memref<128xf32, #tpu.memory_space<vmem>>) offsets(%dma_start3A_39 : memref<128xi32, #tpu.memory_space<vmem>>) semaphore(%arg7 : memref<!tpu.dma_semaphore, #tpu.memory_space<semaphore_mem>>)
    %dma_start3A_42 = arith.constant 4 : i32
    %dma_start3A_43 = arith.constant 4 : i32
    %dma_start3A_44 = arith.constant 0 : i32
    %dma_start3A_45 = tpu.memref_slice %arg6[%dma_start3A_43, %dma_start3A_44] : memref<16x128xf32, #tpu.memory_space<vmem>> -> memref<1x128xf32, #tpu.memory_space<vmem>>
    %dma_start3A_46 = tpu.memref_squeeze %dma_start3A_45 : memref<1x128xf32, #tpu.memory_space<vmem>> -> memref<128xf32, #tpu.memory_space<vmem>>
    %dma_start3A_47 = arith.constant 0 : i32
    %dma_start3A_48 = tpu.memref_slice %arg5[%dma_start3A_42, %dma_start3A_47] : memref<16x128xi32, #tpu.memory_space<vmem>> -> memref<1x128xi32, #tpu.memory_space<vmem>>
    %dma_start3A_49 = tpu.memref_squeeze %dma_start3A_48 : memref<1x128xi32, #tpu.memory_space<vmem>> -> memref<128xi32, #tpu.memory_space<vmem>>
    %dma_start3A_50 = arith.constant 0 : i32
    %dma_start3A_51 = tpu.memref_slice %arg2[%dma_start3A_50] : memref<65536xf32, #tpu.memory_space<hbm>> -> memref<65536xf32, #tpu.memory_space<hbm>>
    tpu.enqueue_indirect_dma source(%dma_start3A_51 : memref<65536xf32, #tpu.memory_space<hbm>>) target(%dma_start3A_46 : memref<128xf32, #tpu.memory_space<vmem>>) offsets(%dma_start3A_49 : memref<128xi32, #tpu.memory_space<vmem>>) semaphore(%arg7 : memref<!tpu.dma_semaphore, #tpu.memory_space<semaphore_mem>>)
    %dma_start3A_52 = arith.constant 5 : i32
    %dma_start3A_53 = arith.constant 5 : i32
    %dma_start3A_54 = arith.constant 0 : i32
    %dma_start3A_55 = tpu.memref_slice %arg6[%dma_start3A_53, %dma_start3A_54] : memref<16x128xf32, #tpu.memory_space<vmem>> -> memref<1x128xf32, #tpu.memory_space<vmem>>
    %dma_start3A_56 = tpu.memref_squeeze %dma_start3A_55 : memref<1x128xf32, #tpu.memory_space<vmem>> -> memref<128xf32, #tpu.memory_space<vmem>>
    %dma_start3A_57 = arith.constant 0 : i32
    %dma_start3A_58 = tpu.memref_slice %arg5[%dma_start3A_52, %dma_start3A_57] : memref<16x128xi32, #tpu.memory_space<vmem>> -> memref<1x128xi32, #tpu.memory_space<vmem>>
    %dma_start3A_59 = tpu.memref_squeeze %dma_start3A_58 : memref<1x128xi32, #tpu.memory_space<vmem>> -> memref<128xi32, #tpu.memory_space<vmem>>
    %dma_start3A_60 = arith.constant 0 : i32
    %dma_start3A_61 = tpu.memref_slice %arg2[%dma_start3A_60] : memref<65536xf32, #tpu.memory_space<hbm>> -> memref<65536xf32, #tpu.memory_space<hbm>>
    tpu.enqueue_indirect_dma source(%dma_start3A_61 : memref<65536xf32, #tpu.memory_space<hbm>>) target(%dma_start3A_56 : memref<128xf32, #tpu.memory_space<vmem>>) offsets(%dma_start3A_59 : memref<128xi32, #tpu.memory_space<vmem>>) semaphore(%arg7 : memref<!tpu.dma_semaphore, #tpu.memory_space<semaphore_mem>>)
    %dma_start3A_62 = arith.constant 6 : i32
    %dma_start3A_63 = arith.constant 6 : i32
    %dma_start3A_64 = arith.constant 0 : i32
    %dma_start3A_65 = tpu.memref_slice %arg6[%dma_start3A_63, %dma_start3A_64] : memref<16x128xf32, #tpu.memory_space<vmem>> -> memref<1x128xf32, #tpu.memory_space<vmem>>
    %dma_start3A_66 = tpu.memref_squeeze %dma_start3A_65 : memref<1x128xf32, #tpu.memory_space<vmem>> -> memref<128xf32, #tpu.memory_space<vmem>>
    %dma_start3A_67 = arith.constant 0 : i32
    %dma_start3A_68 = tpu.memref_slice %arg5[%dma_start3A_62, %dma_start3A_67] : memref<16x128xi32, #tpu.memory_space<vmem>> -> memref<1x128xi32, #tpu.memory_space<vmem>>
    %dma_start3A_69 = tpu.memref_squeeze %dma_start3A_68 : memref<1x128xi32, #tpu.memory_space<vmem>> -> memref<128xi32, #tpu.memory_space<vmem>>
    %dma_start3A_70 = arith.constant 0 : i32
    %dma_start3A_71 = tpu.memref_slice %arg2[%dma_start3A_70] : memref<65536xf32, #tpu.memory_space<hbm>> -> memref<65536xf32, #tpu.memory_space<hbm>>
    tpu.enqueue_indirect_dma source(%dma_start3A_71 : memref<65536xf32, #tpu.memory_space<hbm>>) target(%dma_start3A_66 : memref<128xf32, #tpu.memory_space<vmem>>) offsets(%dma_start3A_69 : memref<128xi32, #tpu.memory_space<vmem>>) semaphore(%arg7 : memref<!tpu.dma_semaphore, #tpu.memory_space<semaphore_mem>>)
    %dma_start3A_72 = arith.constant 7 : i32
    %dma_start3A_73 = arith.constant 7 : i32
    %dma_start3A_74 = arith.constant 0 : i32
    %dma_start3A_75 = tpu.memref_slice %arg6[%dma_start3A_73, %dma_start3A_74] : memref<16x128xf32, #tpu.memory_space<vmem>> -> memref<1x128xf32, #tpu.memory_space<vmem>>
    %dma_start3A_76 = tpu.memref_squeeze %dma_start3A_75 : memref<1x128xf32, #tpu.memory_space<vmem>> -> memref<128xf32, #tpu.memory_space<vmem>>
    %dma_start3A_77 = arith.constant 0 : i32
    %dma_start3A_78 = tpu.memref_slice %arg5[%dma_start3A_72, %dma_start3A_77] : memref<16x128xi32, #tpu.memory_space<vmem>> -> memref<1x128xi32, #tpu.memory_space<vmem>>
    %dma_start3A_79 = tpu.memref_squeeze %dma_start3A_78 : memref<1x128xi32, #tpu.memory_space<vmem>> -> memref<128xi32, #tpu.memory_space<vmem>>
    %dma_start3A_80 = arith.constant 0 : i32
    %dma_start3A_81 = tpu.memref_slice %arg2[%dma_start3A_80] : memref<65536xf32, #tpu.memory_space<hbm>> -> memref<65536xf32, #tpu.memory_space<hbm>>
    tpu.enqueue_indirect_dma source(%dma_start3A_81 : memref<65536xf32, #tpu.memory_space<hbm>>) target(%dma_start3A_76 : memref<128xf32, #tpu.memory_space<vmem>>) offsets(%dma_start3A_79 : memref<128xi32, #tpu.memory_space<vmem>>) semaphore(%arg7 : memref<!tpu.dma_semaphore, #tpu.memory_space<semaphore_mem>>)
    %dma_start3A_82 = arith.constant 8 : i32
    %dma_start3A_83 = arith.constant 8 : i32
    %dma_start3A_84 = arith.constant 0 : i32
    %dma_start3A_85 = tpu.memref_slice %arg6[%dma_start3A_83, %dma_start3A_84] : memref<16x128xf32, #tpu.memory_space<vmem>> -> memref<1x128xf32, #tpu.memory_space<vmem>>
    %dma_start3A_86 = tpu.memref_squeeze %dma_start3A_85 : memref<1x128xf32, #tpu.memory_space<vmem>> -> memref<128xf32, #tpu.memory_space<vmem>>
    %dma_start3A_87 = arith.constant 0 : i32
    %dma_start3A_88 = tpu.memref_slice %arg5[%dma_start3A_82, %dma_start3A_87] : memref<16x128xi32, #tpu.memory_space<vmem>> -> memref<1x128xi32, #tpu.memory_space<vmem>>
    %dma_start3A_89 = tpu.memref_squeeze %dma_start3A_88 : memref<1x128xi32, #tpu.memory_space<vmem>> -> memref<128xi32, #tpu.memory_space<vmem>>
    %dma_start3A_90 = arith.constant 0 : i32
    %dma_start3A_91 = tpu.memref_slice %arg2[%dma_start3A_90] : memref<65536xf32, #tpu.memory_space<hbm>> -> memref<65536xf32, #tpu.memory_space<hbm>>
    tpu.enqueue_indirect_dma source(%dma_start3A_91 : memref<65536xf32, #tpu.memory_space<hbm>>) target(%dma_start3A_86 : memref<128xf32, #tpu.memory_space<vmem>>) offsets(%dma_start3A_89 : memref<128xi32, #tpu.memory_space<vmem>>) semaphore(%arg7 : memref<!tpu.dma_semaphore, #tpu.memory_space<semaphore_mem>>)
    %dma_start3A_92 = arith.constant 9 : i32
    %dma_start3A_93 = arith.constant 9 : i32
    %dma_start3A_94 = arith.constant 0 : i32
    %dma_start3A_95 = tpu.memref_slice %arg6[%dma_start3A_93, %dma_start3A_94] : memref<16x128xf32, #tpu.memory_space<vmem>> -> memref<1x128xf32, #tpu.memory_space<vmem>>
    %dma_start3A_96 = tpu.memref_squeeze %dma_start3A_95 : memref<1x128xf32, #tpu.memory_space<vmem>> -> memref<128xf32, #tpu.memory_space<vmem>>
    %dma_start3A_97 = arith.constant 0 : i32
    %dma_start3A_98 = tpu.memref_slice %arg5[%dma_start3A_92, %dma_start3A_97] : memref<16x128xi32, #tpu.memory_space<vmem>> -> memref<1x128xi32, #tpu.memory_space<vmem>>
    %dma_start3A_99 = tpu.memref_squeeze %dma_start3A_98 : memref<1x128xi32, #tpu.memory_space<vmem>> -> memref<128xi32, #tpu.memory_space<vmem>>
    %dma_start3A_100 = arith.constant 0 : i32
    %dma_start3A_101 = tpu.memref_slice %arg2[%dma_start3A_100] : memref<65536xf32, #tpu.memory_space<hbm>> -> memref<65536xf32, #tpu.memory_space<hbm>>
    tpu.enqueue_indirect_dma source(%dma_start3A_101 : memref<65536xf32, #tpu.memory_space<hbm>>) target(%dma_start3A_96 : memref<128xf32, #tpu.memory_space<vmem>>) offsets(%dma_start3A_99 : memref<128xi32, #tpu.memory_space<vmem>>) semaphore(%arg7 : memref<!tpu.dma_semaphore, #tpu.memory_space<semaphore_mem>>)
    %dma_start3A_102 = arith.constant 10 : i32
    %dma_start3A_103 = arith.constant 10 : i32
    %dma_start3A_104 = arith.constant 0 : i32
    %dma_start3A_105 = tpu.memref_slice %arg6[%dma_start3A_103, %dma_start3A_104] : memref<16x128xf32, #tpu.memory_space<vmem>> -> memref<1x128xf32, #tpu.memory_space<vmem>>
    %dma_start3A_106 = tpu.memref_squeeze %dma_start3A_105 : memref<1x128xf32, #tpu.memory_space<vmem>> -> memref<128xf32, #tpu.memory_space<vmem>>
    %dma_start3A_107 = arith.constant 0 : i32
    %dma_start3A_108 = tpu.memref_slice %arg5[%dma_start3A_102, %dma_start3A_107] : memref<16x128xi32, #tpu.memory_space<vmem>> -> memref<1x128xi32, #tpu.memory_space<vmem>>
    %dma_start3A_109 = tpu.memref_squeeze %dma_start3A_108 : memref<1x128xi32, #tpu.memory_space<vmem>> -> memref<128xi32, #tpu.memory_space<vmem>>
    %dma_start3A_110 = arith.constant 0 : i32
    %dma_start3A_111 = tpu.memref_slice %arg2[%dma_start3A_110] : memref<65536xf32, #tpu.memory_space<hbm>> -> memref<65536xf32, #tpu.memory_space<hbm>>
    tpu.enqueue_indirect_dma source(%dma_start3A_111 : memref<65536xf32, #tpu.memory_space<hbm>>) target(%dma_start3A_106 : memref<128xf32, #tpu.memory_space<vmem>>) offsets(%dma_start3A_109 : memref<128xi32, #tpu.memory_space<vmem>>) semaphore(%arg7 : memref<!tpu.dma_semaphore, #tpu.memory_space<semaphore_mem>>)
    %dma_start3A_112 = arith.constant 11 : i32
    %dma_start3A_113 = arith.constant 11 : i32
    %dma_start3A_114 = arith.constant 0 : i32
    %dma_start3A_115 = tpu.memref_slice %arg6[%dma_start3A_113, %dma_start3A_114] : memref<16x128xf32, #tpu.memory_space<vmem>> -> memref<1x128xf32, #tpu.memory_space<vmem>>
    %dma_start3A_116 = tpu.memref_squeeze %dma_start3A_115 : memref<1x128xf32, #tpu.memory_space<vmem>> -> memref<128xf32, #tpu.memory_space<vmem>>
    %dma_start3A_117 = arith.constant 0 : i32
    %dma_start3A_118 = tpu.memref_slice %arg5[%dma_start3A_112, %dma_start3A_117] : memref<16x128xi32, #tpu.memory_space<vmem>> -> memref<1x128xi32, #tpu.memory_space<vmem>>
    %dma_start3A_119 = tpu.memref_squeeze %dma_start3A_118 : memref<1x128xi32, #tpu.memory_space<vmem>> -> memref<128xi32, #tpu.memory_space<vmem>>
    %dma_start3A_120 = arith.constant 0 : i32
    %dma_start3A_121 = tpu.memref_slice %arg2[%dma_start3A_120] : memref<65536xf32, #tpu.memory_space<hbm>> -> memref<65536xf32, #tpu.memory_space<hbm>>
    tpu.enqueue_indirect_dma source(%dma_start3A_121 : memref<65536xf32, #tpu.memory_space<hbm>>) target(%dma_start3A_116 : memref<128xf32, #tpu.memory_space<vmem>>) offsets(%dma_start3A_119 : memref<128xi32, #tpu.memory_space<vmem>>) semaphore(%arg7 : memref<!tpu.dma_semaphore, #tpu.memory_space<semaphore_mem>>)
    %dma_start3A_122 = arith.constant 12 : i32
    %dma_start3A_123 = arith.constant 12 : i32
    %dma_start3A_124 = arith.constant 0 : i32
    %dma_start3A_125 = tpu.memref_slice %arg6[%dma_start3A_123, %dma_start3A_124] : memref<16x128xf32, #tpu.memory_space<vmem>> -> memref<1x128xf32, #tpu.memory_space<vmem>>
    %dma_start3A_126 = tpu.memref_squeeze %dma_start3A_125 : memref<1x128xf32, #tpu.memory_space<vmem>> -> memref<128xf32, #tpu.memory_space<vmem>>
    %dma_start3A_127 = arith.constant 0 : i32
    %dma_start3A_128 = tpu.memref_slice %arg5[%dma_start3A_122, %dma_start3A_127] : memref<16x128xi32, #tpu.memory_space<vmem>> -> memref<1x128xi32, #tpu.memory_space<vmem>>
    %dma_start3A_129 = tpu.memref_squeeze %dma_start3A_128 : memref<1x128xi32, #tpu.memory_space<vmem>> -> memref<128xi32, #tpu.memory_space<vmem>>
    %dma_start3A_130 = arith.constant 0 : i32
    %dma_start3A_131 = tpu.memref_slice %arg2[%dma_start3A_130] : memref<65536xf32, #tpu.memory_space<hbm>> -> memref<65536xf32, #tpu.memory_space<hbm>>
    tpu.enqueue_indirect_dma source(%dma_start3A_131 : memref<65536xf32, #tpu.memory_space<hbm>>) target(%dma_start3A_126 : memref<128xf32, #tpu.memory_space<vmem>>) offsets(%dma_start3A_129 : memref<128xi32, #tpu.memory_space<vmem>>) semaphore(%arg7 : memref<!tpu.dma_semaphore, #tpu.memory_space<semaphore_mem>>)
    %dma_start3A_132 = arith.constant 13 : i32
    %dma_start3A_133 = arith.constant 13 : i32
    %dma_start3A_134 = arith.constant 0 : i32
    %dma_start3A_135 = tpu.memref_slice %arg6[%dma_start3A_133, %dma_start3A_134] : memref<16x128xf32, #tpu.memory_space<vmem>> -> memref<1x128xf32, #tpu.memory_space<vmem>>
    %dma_start3A_136 = tpu.memref_squeeze %dma_start3A_135 : memref<1x128xf32, #tpu.memory_space<vmem>> -> memref<128xf32, #tpu.memory_space<vmem>>
    %dma_start3A_137 = arith.constant 0 : i32
    %dma_start3A_138 = tpu.memref_slice %arg5[%dma_start3A_132, %dma_start3A_137] : memref<16x128xi32, #tpu.memory_space<vmem>> -> memref<1x128xi32, #tpu.memory_space<vmem>>
    %dma_start3A_139 = tpu.memref_squeeze %dma_start3A_138 : memref<1x128xi32, #tpu.memory_space<vmem>> -> memref<128xi32, #tpu.memory_space<vmem>>
    %dma_start3A_140 = arith.constant 0 : i32
    %dma_start3A_141 = tpu.memref_slice %arg2[%dma_start3A_140] : memref<65536xf32, #tpu.memory_space<hbm>> -> memref<65536xf32, #tpu.memory_space<hbm>>
    tpu.enqueue_indirect_dma source(%dma_start3A_141 : memref<65536xf32, #tpu.memory_space<hbm>>) target(%dma_start3A_136 : memref<128xf32, #tpu.memory_space<vmem>>) offsets(%dma_start3A_139 : memref<128xi32, #tpu.memory_space<vmem>>) semaphore(%arg7 : memref<!tpu.dma_semaphore, #tpu.memory_space<semaphore_mem>>)
    %dma_start3A_142 = arith.constant 14 : i32
    %dma_start3A_143 = arith.constant 14 : i32
    %dma_start3A_144 = arith.constant 0 : i32
    %dma_start3A_145 = tpu.memref_slice %arg6[%dma_start3A_143, %dma_start3A_144] : memref<16x128xf32, #tpu.memory_space<vmem>> -> memref<1x128xf32, #tpu.memory_space<vmem>>
    %dma_start3A_146 = tpu.memref_squeeze %dma_start3A_145 : memref<1x128xf32, #tpu.memory_space<vmem>> -> memref<128xf32, #tpu.memory_space<vmem>>
    %dma_start3A_147 = arith.constant 0 : i32
    %dma_start3A_148 = tpu.memref_slice %arg5[%dma_start3A_142, %dma_start3A_147] : memref<16x128xi32, #tpu.memory_space<vmem>> -> memref<1x128xi32, #tpu.memory_space<vmem>>
    %dma_start3A_149 = tpu.memref_squeeze %dma_start3A_148 : memref<1x128xi32, #tpu.memory_space<vmem>> -> memref<128xi32, #tpu.memory_space<vmem>>
    %dma_start3A_150 = arith.constant 0 : i32
    %dma_start3A_151 = tpu.memref_slice %arg2[%dma_start3A_150] : memref<65536xf32, #tpu.memory_space<hbm>> -> memref<65536xf32, #tpu.memory_space<hbm>>
    tpu.enqueue_indirect_dma source(%dma_start3A_151 : memref<65536xf32, #tpu.memory_space<hbm>>) target(%dma_start3A_146 : memref<128xf32, #tpu.memory_space<vmem>>) offsets(%dma_start3A_149 : memref<128xi32, #tpu.memory_space<vmem>>) semaphore(%arg7 : memref<!tpu.dma_semaphore, #tpu.memory_space<semaphore_mem>>)
    %dma_start3A_152 = arith.constant 15 : i32
    %dma_start3A_153 = arith.constant 15 : i32
    %dma_start3A_154 = arith.constant 0 : i32
    %dma_start3A_155 = tpu.memref_slice %arg6[%dma_start3A_153, %dma_start3A_154] : memref<16x128xf32, #tpu.memory_space<vmem>> -> memref<1x128xf32, #tpu.memory_space<vmem>>
    %dma_start3A_156 = tpu.memref_squeeze %dma_start3A_155 : memref<1x128xf32, #tpu.memory_space<vmem>> -> memref<128xf32, #tpu.memory_space<vmem>>
    %dma_start3A_157 = arith.constant 0 : i32
    %dma_start3A_158 = tpu.memref_slice %arg5[%dma_start3A_152, %dma_start3A_157] : memref<16x128xi32, #tpu.memory_space<vmem>> -> memref<1x128xi32, #tpu.memory_space<vmem>>
    %dma_start3A_159 = tpu.memref_squeeze %dma_start3A_158 : memref<1x128xi32, #tpu.memory_space<vmem>> -> memref<128xi32, #tpu.memory_space<vmem>>
    %dma_start3A_160 = arith.constant 0 : i32
    %dma_start3A_161 = tpu.memref_slice %arg2[%dma_start3A_160] : memref<65536xf32, #tpu.memory_space<hbm>> -> memref<65536xf32, #tpu.memory_space<hbm>>
    tpu.enqueue_indirect_dma source(%dma_start3A_161 : memref<65536xf32, #tpu.memory_space<hbm>>) target(%dma_start3A_156 : memref<128xf32, #tpu.memory_space<vmem>>) offsets(%dma_start3A_159 : memref<128xi32, #tpu.memory_space<vmem>>) semaphore(%arg7 : memref<!tpu.dma_semaphore, #tpu.memory_space<semaphore_mem>>)
    %dma_wait3A = arith.constant 0 : i32
    %dma_wait3A_162 = arith.constant 0 : i32
    %dma_wait3A_163 = arith.constant 0 : i32
    %dma_wait3A_164 = tpu.memref_slice %arg6[%dma_wait3A_162, %dma_wait3A_163] : memref<16x128xf32, #tpu.memory_space<vmem>> -> memref<1x128xf32, #tpu.memory_space<vmem>>
    %dma_wait3A_165 = tpu.memref_squeeze %dma_wait3A_164 : memref<1x128xf32, #tpu.memory_space<vmem>> -> memref<128xf32, #tpu.memory_space<vmem>>
    %dma_wait3A_166 = arith.constant 0 : i32
    %dma_wait3A_167 = tpu.memref_slice %arg5[%dma_wait3A, %dma_wait3A_166] : memref<16x128xi32, #tpu.memory_space<vmem>> -> memref<1x128xi32, #tpu.memory_space<vmem>>
    %dma_wait3A_168 = tpu.memref_squeeze %dma_wait3A_167 : memref<1x128xi32, #tpu.memory_space<vmem>> -> memref<128xi32, #tpu.memory_space<vmem>>
    %dma_wait3A_169 = arith.constant 0 : i32
    %dma_wait3A_170 = tpu.memref_slice %arg2[%dma_wait3A_169] : memref<65536xf32, #tpu.memory_space<hbm>> -> memref<65536xf32, #tpu.memory_space<hbm>>
    tpu.wait_indirect_dma semaphore(%arg7 : memref<!tpu.dma_semaphore, #tpu.memory_space<semaphore_mem>>) src(%dma_wait3A_170 : memref<65536xf32, #tpu.memory_space<hbm>>) dst(%dma_wait3A_165 : memref<128xf32, #tpu.memory_space<vmem>>)
    %dma_wait3A_171 = arith.constant 1 : i32
    %dma_wait3A_172 = arith.constant 1 : i32
    %dma_wait3A_173 = arith.constant 0 : i32
    %dma_wait3A_174 = tpu.memref_slice %arg6[%dma_wait3A_172, %dma_wait3A_173] : memref<16x128xf32, #tpu.memory_space<vmem>> -> memref<1x128xf32, #tpu.memory_space<vmem>>
    %dma_wait3A_175 = tpu.memref_squeeze %dma_wait3A_174 : memref<1x128xf32, #tpu.memory_space<vmem>> -> memref<128xf32, #tpu.memory_space<vmem>>
    %dma_wait3A_176 = arith.constant 0 : i32
    %dma_wait3A_177 = tpu.memref_slice %arg5[%dma_wait3A_171, %dma_wait3A_176] : memref<16x128xi32, #tpu.memory_space<vmem>> -> memref<1x128xi32, #tpu.memory_space<vmem>>
    %dma_wait3A_178 = tpu.memref_squeeze %dma_wait3A_177 : memref<1x128xi32, #tpu.memory_space<vmem>> -> memref<128xi32, #tpu.memory_space<vmem>>
    %dma_wait3A_179 = arith.constant 0 : i32
    %dma_wait3A_180 = tpu.memref_slice %arg2[%dma_wait3A_179] : memref<65536xf32, #tpu.memory_space<hbm>> -> memref<65536xf32, #tpu.memory_space<hbm>>
    tpu.wait_indirect_dma semaphore(%arg7 : memref<!tpu.dma_semaphore, #tpu.memory_space<semaphore_mem>>) src(%dma_wait3A_180 : memref<65536xf32, #tpu.memory_space<hbm>>) dst(%dma_wait3A_175 : memref<128xf32, #tpu.memory_space<vmem>>)
    %dma_wait3A_181 = arith.constant 2 : i32
    %dma_wait3A_182 = arith.constant 2 : i32
    %dma_wait3A_183 = arith.constant 0 : i32
    %dma_wait3A_184 = tpu.memref_slice %arg6[%dma_wait3A_182, %dma_wait3A_183] : memref<16x128xf32, #tpu.memory_space<vmem>> -> memref<1x128xf32, #tpu.memory_space<vmem>>
    %dma_wait3A_185 = tpu.memref_squeeze %dma_wait3A_184 : memref<1x128xf32, #tpu.memory_space<vmem>> -> memref<128xf32, #tpu.memory_space<vmem>>
    %dma_wait3A_186 = arith.constant 0 : i32
    %dma_wait3A_187 = tpu.memref_slice %arg5[%dma_wait3A_181, %dma_wait3A_186] : memref<16x128xi32, #tpu.memory_space<vmem>> -> memref<1x128xi32, #tpu.memory_space<vmem>>
    %dma_wait3A_188 = tpu.memref_squeeze %dma_wait3A_187 : memref<1x128xi32, #tpu.memory_space<vmem>> -> memref<128xi32, #tpu.memory_space<vmem>>
    %dma_wait3A_189 = arith.constant 0 : i32
    %dma_wait3A_190 = tpu.memref_slice %arg2[%dma_wait3A_189] : memref<65536xf32, #tpu.memory_space<hbm>> -> memref<65536xf32, #tpu.memory_space<hbm>>
    tpu.wait_indirect_dma semaphore(%arg7 : memref<!tpu.dma_semaphore, #tpu.memory_space<semaphore_mem>>) src(%dma_wait3A_190 : memref<65536xf32, #tpu.memory_space<hbm>>) dst(%dma_wait3A_185 : memref<128xf32, #tpu.memory_space<vmem>>)
    %dma_wait3A_191 = arith.constant 3 : i32
    %dma_wait3A_192 = arith.constant 3 : i32
    %dma_wait3A_193 = arith.constant 0 : i32
    %dma_wait3A_194 = tpu.memref_slice %arg6[%dma_wait3A_192, %dma_wait3A_193] : memref<16x128xf32, #tpu.memory_space<vmem>> -> memref<1x128xf32, #tpu.memory_space<vmem>>
    %dma_wait3A_195 = tpu.memref_squeeze %dma_wait3A_194 : memref<1x128xf32, #tpu.memory_space<vmem>> -> memref<128xf32, #tpu.memory_space<vmem>>
    %dma_wait3A_196 = arith.constant 0 : i32
    %dma_wait3A_197 = tpu.memref_slice %arg5[%dma_wait3A_191, %dma_wait3A_196] : memref<16x128xi32, #tpu.memory_space<vmem>> -> memref<1x128xi32, #tpu.memory_space<vmem>>
    %dma_wait3A_198 = tpu.memref_squeeze %dma_wait3A_197 : memref<1x128xi32, #tpu.memory_space<vmem>> -> memref<128xi32, #tpu.memory_space<vmem>>
    %dma_wait3A_199 = arith.constant 0 : i32
    %dma_wait3A_200 = tpu.memref_slice %arg2[%dma_wait3A_199] : memref<65536xf32, #tpu.memory_space<hbm>> -> memref<65536xf32, #tpu.memory_space<hbm>>
    tpu.wait_indirect_dma semaphore(%arg7 : memref<!tpu.dma_semaphore, #tpu.memory_space<semaphore_mem>>) src(%dma_wait3A_200 : memref<65536xf32, #tpu.memory_space<hbm>>) dst(%dma_wait3A_195 : memref<128xf32, #tpu.memory_space<vmem>>)
    %dma_wait3A_201 = arith.constant 4 : i32
    %dma_wait3A_202 = arith.constant 4 : i32
    %dma_wait3A_203 = arith.constant 0 : i32
    %dma_wait3A_204 = tpu.memref_slice %arg6[%dma_wait3A_202, %dma_wait3A_203] : memref<16x128xf32, #tpu.memory_space<vmem>> -> memref<1x128xf32, #tpu.memory_space<vmem>>
    %dma_wait3A_205 = tpu.memref_squeeze %dma_wait3A_204 : memref<1x128xf32, #tpu.memory_space<vmem>> -> memref<128xf32, #tpu.memory_space<vmem>>
    %dma_wait3A_206 = arith.constant 0 : i32
    %dma_wait3A_207 = tpu.memref_slice %arg5[%dma_wait3A_201, %dma_wait3A_206] : memref<16x128xi32, #tpu.memory_space<vmem>> -> memref<1x128xi32, #tpu.memory_space<vmem>>
    %dma_wait3A_208 = tpu.memref_squeeze %dma_wait3A_207 : memref<1x128xi32, #tpu.memory_space<vmem>> -> memref<128xi32, #tpu.memory_space<vmem>>
    %dma_wait3A_209 = arith.constant 0 : i32
    %dma_wait3A_210 = tpu.memref_slice %arg2[%dma_wait3A_209] : memref<65536xf32, #tpu.memory_space<hbm>> -> memref<65536xf32, #tpu.memory_space<hbm>>
    tpu.wait_indirect_dma semaphore(%arg7 : memref<!tpu.dma_semaphore, #tpu.memory_space<semaphore_mem>>) src(%dma_wait3A_210 : memref<65536xf32, #tpu.memory_space<hbm>>) dst(%dma_wait3A_205 : memref<128xf32, #tpu.memory_space<vmem>>)
    %dma_wait3A_211 = arith.constant 5 : i32
    %dma_wait3A_212 = arith.constant 5 : i32
    %dma_wait3A_213 = arith.constant 0 : i32
    %dma_wait3A_214 = tpu.memref_slice %arg6[%dma_wait3A_212, %dma_wait3A_213] : memref<16x128xf32, #tpu.memory_space<vmem>> -> memref<1x128xf32, #tpu.memory_space<vmem>>
    %dma_wait3A_215 = tpu.memref_squeeze %dma_wait3A_214 : memref<1x128xf32, #tpu.memory_space<vmem>> -> memref<128xf32, #tpu.memory_space<vmem>>
    %dma_wait3A_216 = arith.constant 0 : i32
    %dma_wait3A_217 = tpu.memref_slice %arg5[%dma_wait3A_211, %dma_wait3A_216] : memref<16x128xi32, #tpu.memory_space<vmem>> -> memref<1x128xi32, #tpu.memory_space<vmem>>
    %dma_wait3A_218 = tpu.memref_squeeze %dma_wait3A_217 : memref<1x128xi32, #tpu.memory_space<vmem>> -> memref<128xi32, #tpu.memory_space<vmem>>
    %dma_wait3A_219 = arith.constant 0 : i32
    %dma_wait3A_220 = tpu.memref_slice %arg2[%dma_wait3A_219] : memref<65536xf32, #tpu.memory_space<hbm>> -> memref<65536xf32, #tpu.memory_space<hbm>>
    tpu.wait_indirect_dma semaphore(%arg7 : memref<!tpu.dma_semaphore, #tpu.memory_space<semaphore_mem>>) src(%dma_wait3A_220 : memref<65536xf32, #tpu.memory_space<hbm>>) dst(%dma_wait3A_215 : memref<128xf32, #tpu.memory_space<vmem>>)
    %dma_wait3A_221 = arith.constant 6 : i32
    %dma_wait3A_222 = arith.constant 6 : i32
    %dma_wait3A_223 = arith.constant 0 : i32
    %dma_wait3A_224 = tpu.memref_slice %arg6[%dma_wait3A_222, %dma_wait3A_223] : memref<16x128xf32, #tpu.memory_space<vmem>> -> memref<1x128xf32, #tpu.memory_space<vmem>>
    %dma_wait3A_225 = tpu.memref_squeeze %dma_wait3A_224 : memref<1x128xf32, #tpu.memory_space<vmem>> -> memref<128xf32, #tpu.memory_space<vmem>>
    %dma_wait3A_226 = arith.constant 0 : i32
    %dma_wait3A_227 = tpu.memref_slice %arg5[%dma_wait3A_221, %dma_wait3A_226] : memref<16x128xi32, #tpu.memory_space<vmem>> -> memref<1x128xi32, #tpu.memory_space<vmem>>
    %dma_wait3A_228 = tpu.memref_squeeze %dma_wait3A_227 : memref<1x128xi32, #tpu.memory_space<vmem>> -> memref<128xi32, #tpu.memory_space<vmem>>
    %dma_wait3A_229 = arith.constant 0 : i32
    %dma_wait3A_230 = tpu.memref_slice %arg2[%dma_wait3A_229] : memref<65536xf32, #tpu.memory_space<hbm>> -> memref<65536xf32, #tpu.memory_space<hbm>>
    tpu.wait_indirect_dma semaphore(%arg7 : memref<!tpu.dma_semaphore, #tpu.memory_space<semaphore_mem>>) src(%dma_wait3A_230 : memref<65536xf32, #tpu.memory_space<hbm>>) dst(%dma_wait3A_225 : memref<128xf32, #tpu.memory_space<vmem>>)
    %dma_wait3A_231 = arith.constant 7 : i32
    %dma_wait3A_232 = arith.constant 7 : i32
    %dma_wait3A_233 = arith.constant 0 : i32
    %dma_wait3A_234 = tpu.memref_slice %arg6[%dma_wait3A_232, %dma_wait3A_233] : memref<16x128xf32, #tpu.memory_space<vmem>> -> memref<1x128xf32, #tpu.memory_space<vmem>>
    %dma_wait3A_235 = tpu.memref_squeeze %dma_wait3A_234 : memref<1x128xf32, #tpu.memory_space<vmem>> -> memref<128xf32, #tpu.memory_space<vmem>>
    %dma_wait3A_236 = arith.constant 0 : i32
    %dma_wait3A_237 = tpu.memref_slice %arg5[%dma_wait3A_231, %dma_wait3A_236] : memref<16x128xi32, #tpu.memory_space<vmem>> -> memref<1x128xi32, #tpu.memory_space<vmem>>
    %dma_wait3A_238 = tpu.memref_squeeze %dma_wait3A_237 : memref<1x128xi32, #tpu.memory_space<vmem>> -> memref<128xi32, #tpu.memory_space<vmem>>
    %dma_wait3A_239 = arith.constant 0 : i32
    %dma_wait3A_240 = tpu.memref_slice %arg2[%dma_wait3A_239] : memref<65536xf32, #tpu.memory_space<hbm>> -> memref<65536xf32, #tpu.memory_space<hbm>>
    tpu.wait_indirect_dma semaphore(%arg7 : memref<!tpu.dma_semaphore, #tpu.memory_space<semaphore_mem>>) src(%dma_wait3A_240 : memref<65536xf32, #tpu.memory_space<hbm>>) dst(%dma_wait3A_235 : memref<128xf32, #tpu.memory_space<vmem>>)
    %dma_wait3A_241 = arith.constant 8 : i32
    %dma_wait3A_242 = arith.constant 8 : i32
    %dma_wait3A_243 = arith.constant 0 : i32
    %dma_wait3A_244 = tpu.memref_slice %arg6[%dma_wait3A_242, %dma_wait3A_243] : memref<16x128xf32, #tpu.memory_space<vmem>> -> memref<1x128xf32, #tpu.memory_space<vmem>>
    %dma_wait3A_245 = tpu.memref_squeeze %dma_wait3A_244 : memref<1x128xf32, #tpu.memory_space<vmem>> -> memref<128xf32, #tpu.memory_space<vmem>>
    %dma_wait3A_246 = arith.constant 0 : i32
    %dma_wait3A_247 = tpu.memref_slice %arg5[%dma_wait3A_241, %dma_wait3A_246] : memref<16x128xi32, #tpu.memory_space<vmem>> -> memref<1x128xi32, #tpu.memory_space<vmem>>
    %dma_wait3A_248 = tpu.memref_squeeze %dma_wait3A_247 : memref<1x128xi32, #tpu.memory_space<vmem>> -> memref<128xi32, #tpu.memory_space<vmem>>
    %dma_wait3A_249 = arith.constant 0 : i32
    %dma_wait3A_250 = tpu.memref_slice %arg2[%dma_wait3A_249] : memref<65536xf32, #tpu.memory_space<hbm>> -> memref<65536xf32, #tpu.memory_space<hbm>>
    tpu.wait_indirect_dma semaphore(%arg7 : memref<!tpu.dma_semaphore, #tpu.memory_space<semaphore_mem>>) src(%dma_wait3A_250 : memref<65536xf32, #tpu.memory_space<hbm>>) dst(%dma_wait3A_245 : memref<128xf32, #tpu.memory_space<vmem>>)
    %dma_wait3A_251 = arith.constant 9 : i32
    %dma_wait3A_252 = arith.constant 9 : i32
    %dma_wait3A_253 = arith.constant 0 : i32
    %dma_wait3A_254 = tpu.memref_slice %arg6[%dma_wait3A_252, %dma_wait3A_253] : memref<16x128xf32, #tpu.memory_space<vmem>> -> memref<1x128xf32, #tpu.memory_space<vmem>>
    %dma_wait3A_255 = tpu.memref_squeeze %dma_wait3A_254 : memref<1x128xf32, #tpu.memory_space<vmem>> -> memref<128xf32, #tpu.memory_space<vmem>>
    %dma_wait3A_256 = arith.constant 0 : i32
    %dma_wait3A_257 = tpu.memref_slice %arg5[%dma_wait3A_251, %dma_wait3A_256] : memref<16x128xi32, #tpu.memory_space<vmem>> -> memref<1x128xi32, #tpu.memory_space<vmem>>
    %dma_wait3A_258 = tpu.memref_squeeze %dma_wait3A_257 : memref<1x128xi32, #tpu.memory_space<vmem>> -> memref<128xi32, #tpu.memory_space<vmem>>
    %dma_wait3A_259 = arith.constant 0 : i32
    %dma_wait3A_260 = tpu.memref_slice %arg2[%dma_wait3A_259] : memref<65536xf32, #tpu.memory_space<hbm>> -> memref<65536xf32, #tpu.memory_space<hbm>>
    tpu.wait_indirect_dma semaphore(%arg7 : memref<!tpu.dma_semaphore, #tpu.memory_space<semaphore_mem>>) src(%dma_wait3A_260 : memref<65536xf32, #tpu.memory_space<hbm>>) dst(%dma_wait3A_255 : memref<128xf32, #tpu.memory_space<vmem>>)
    %dma_wait3A_261 = arith.constant 10 : i32
    %dma_wait3A_262 = arith.constant 10 : i32
    %dma_wait3A_263 = arith.constant 0 : i32
    %dma_wait3A_264 = tpu.memref_slice %arg6[%dma_wait3A_262, %dma_wait3A_263] : memref<16x128xf32, #tpu.memory_space<vmem>> -> memref<1x128xf32, #tpu.memory_space<vmem>>
    %dma_wait3A_265 = tpu.memref_squeeze %dma_wait3A_264 : memref<1x128xf32, #tpu.memory_space<vmem>> -> memref<128xf32, #tpu.memory_space<vmem>>
    %dma_wait3A_266 = arith.constant 0 : i32
    %dma_wait3A_267 = tpu.memref_slice %arg5[%dma_wait3A_261, %dma_wait3A_266] : memref<16x128xi32, #tpu.memory_space<vmem>> -> memref<1x128xi32, #tpu.memory_space<vmem>>
    %dma_wait3A_268 = tpu.memref_squeeze %dma_wait3A_267 : memref<1x128xi32, #tpu.memory_space<vmem>> -> memref<128xi32, #tpu.memory_space<vmem>>
    %dma_wait3A_269 = arith.constant 0 : i32
    %dma_wait3A_270 = tpu.memref_slice %arg2[%dma_wait3A_269] : memref<65536xf32, #tpu.memory_space<hbm>> -> memref<65536xf32, #tpu.memory_space<hbm>>
    tpu.wait_indirect_dma semaphore(%arg7 : memref<!tpu.dma_semaphore, #tpu.memory_space<semaphore_mem>>) src(%dma_wait3A_270 : memref<65536xf32, #tpu.memory_space<hbm>>) dst(%dma_wait3A_265 : memref<128xf32, #tpu.memory_space<vmem>>)
    %dma_wait3A_271 = arith.constant 11 : i32
    %dma_wait3A_272 = arith.constant 11 : i32
    %dma_wait3A_273 = arith.constant 0 : i32
    %dma_wait3A_274 = tpu.memref_slice %arg6[%dma_wait3A_272, %dma_wait3A_273] : memref<16x128xf32, #tpu.memory_space<vmem>> -> memref<1x128xf32, #tpu.memory_space<vmem>>
    %dma_wait3A_275 = tpu.memref_squeeze %dma_wait3A_274 : memref<1x128xf32, #tpu.memory_space<vmem>> -> memref<128xf32, #tpu.memory_space<vmem>>
    %dma_wait3A_276 = arith.constant 0 : i32
    %dma_wait3A_277 = tpu.memref_slice %arg5[%dma_wait3A_271, %dma_wait3A_276] : memref<16x128xi32, #tpu.memory_space<vmem>> -> memref<1x128xi32, #tpu.memory_space<vmem>>
    %dma_wait3A_278 = tpu.memref_squeeze %dma_wait3A_277 : memref<1x128xi32, #tpu.memory_space<vmem>> -> memref<128xi32, #tpu.memory_space<vmem>>
    %dma_wait3A_279 = arith.constant 0 : i32
    %dma_wait3A_280 = tpu.memref_slice %arg2[%dma_wait3A_279] : memref<65536xf32, #tpu.memory_space<hbm>> -> memref<65536xf32, #tpu.memory_space<hbm>>
    tpu.wait_indirect_dma semaphore(%arg7 : memref<!tpu.dma_semaphore, #tpu.memory_space<semaphore_mem>>) src(%dma_wait3A_280 : memref<65536xf32, #tpu.memory_space<hbm>>) dst(%dma_wait3A_275 : memref<128xf32, #tpu.memory_space<vmem>>)
    %dma_wait3A_281 = arith.constant 12 : i32
    %dma_wait3A_282 = arith.constant 12 : i32
    %dma_wait3A_283 = arith.constant 0 : i32
    %dma_wait3A_284 = tpu.memref_slice %arg6[%dma_wait3A_282, %dma_wait3A_283] : memref<16x128xf32, #tpu.memory_space<vmem>> -> memref<1x128xf32, #tpu.memory_space<vmem>>
    %dma_wait3A_285 = tpu.memref_squeeze %dma_wait3A_284 : memref<1x128xf32, #tpu.memory_space<vmem>> -> memref<128xf32, #tpu.memory_space<vmem>>
    %dma_wait3A_286 = arith.constant 0 : i32
    %dma_wait3A_287 = tpu.memref_slice %arg5[%dma_wait3A_281, %dma_wait3A_286] : memref<16x128xi32, #tpu.memory_space<vmem>> -> memref<1x128xi32, #tpu.memory_space<vmem>>
    %dma_wait3A_288 = tpu.memref_squeeze %dma_wait3A_287 : memref<1x128xi32, #tpu.memory_space<vmem>> -> memref<128xi32, #tpu.memory_space<vmem>>
    %dma_wait3A_289 = arith.constant 0 : i32
    %dma_wait3A_290 = tpu.memref_slice %arg2[%dma_wait3A_289] : memref<65536xf32, #tpu.memory_space<hbm>> -> memref<65536xf32, #tpu.memory_space<hbm>>
    tpu.wait_indirect_dma semaphore(%arg7 : memref<!tpu.dma_semaphore, #tpu.memory_space<semaphore_mem>>) src(%dma_wait3A_290 : memref<65536xf32, #tpu.memory_space<hbm>>) dst(%dma_wait3A_285 : memref<128xf32, #tpu.memory_space<vmem>>)
    %dma_wait3A_291 = arith.constant 13 : i32
    %dma_wait3A_292 = arith.constant 13 : i32
    %dma_wait3A_293 = arith.constant 0 : i32
    %dma_wait3A_294 = tpu.memref_slice %arg6[%dma_wait3A_292, %dma_wait3A_293] : memref<16x128xf32, #tpu.memory_space<vmem>> -> memref<1x128xf32, #tpu.memory_space<vmem>>
    %dma_wait3A_295 = tpu.memref_squeeze %dma_wait3A_294 : memref<1x128xf32, #tpu.memory_space<vmem>> -> memref<128xf32, #tpu.memory_space<vmem>>
    %dma_wait3A_296 = arith.constant 0 : i32
    %dma_wait3A_297 = tpu.memref_slice %arg5[%dma_wait3A_291, %dma_wait3A_296] : memref<16x128xi32, #tpu.memory_space<vmem>> -> memref<1x128xi32, #tpu.memory_space<vmem>>
    %dma_wait3A_298 = tpu.memref_squeeze %dma_wait3A_297 : memref<1x128xi32, #tpu.memory_space<vmem>> -> memref<128xi32, #tpu.memory_space<vmem>>
    %dma_wait3A_299 = arith.constant 0 : i32
    %dma_wait3A_300 = tpu.memref_slice %arg2[%dma_wait3A_299] : memref<65536xf32, #tpu.memory_space<hbm>> -> memref<65536xf32, #tpu.memory_space<hbm>>
    tpu.wait_indirect_dma semaphore(%arg7 : memref<!tpu.dma_semaphore, #tpu.memory_space<semaphore_mem>>) src(%dma_wait3A_300 : memref<65536xf32, #tpu.memory_space<hbm>>) dst(%dma_wait3A_295 : memref<128xf32, #tpu.memory_space<vmem>>)
    %dma_wait3A_301 = arith.constant 14 : i32
    %dma_wait3A_302 = arith.constant 14 : i32
    %dma_wait3A_303 = arith.constant 0 : i32
    %dma_wait3A_304 = tpu.memref_slice %arg6[%dma_wait3A_302, %dma_wait3A_303] : memref<16x128xf32, #tpu.memory_space<vmem>> -> memref<1x128xf32, #tpu.memory_space<vmem>>
    %dma_wait3A_305 = tpu.memref_squeeze %dma_wait3A_304 : memref<1x128xf32, #tpu.memory_space<vmem>> -> memref<128xf32, #tpu.memory_space<vmem>>
    %dma_wait3A_306 = arith.constant 0 : i32
    %dma_wait3A_307 = tpu.memref_slice %arg5[%dma_wait3A_301, %dma_wait3A_306] : memref<16x128xi32, #tpu.memory_space<vmem>> -> memref<1x128xi32, #tpu.memory_space<vmem>>
    %dma_wait3A_308 = tpu.memref_squeeze %dma_wait3A_307 : memref<1x128xi32, #tpu.memory_space<vmem>> -> memref<128xi32, #tpu.memory_space<vmem>>
    %dma_wait3A_309 = arith.constant 0 : i32
    %dma_wait3A_310 = tpu.memref_slice %arg2[%dma_wait3A_309] : memref<65536xf32, #tpu.memory_space<hbm>> -> memref<65536xf32, #tpu.memory_space<hbm>>
    tpu.wait_indirect_dma semaphore(%arg7 : memref<!tpu.dma_semaphore, #tpu.memory_space<semaphore_mem>>) src(%dma_wait3A_310 : memref<65536xf32, #tpu.memory_space<hbm>>) dst(%dma_wait3A_305 : memref<128xf32, #tpu.memory_space<vmem>>)
    %dma_wait3A_311 = arith.constant 15 : i32
    %dma_wait3A_312 = arith.constant 15 : i32
    %dma_wait3A_313 = arith.constant 0 : i32
    %dma_wait3A_314 = tpu.memref_slice %arg6[%dma_wait3A_312, %dma_wait3A_313] : memref<16x128xf32, #tpu.memory_space<vmem>> -> memref<1x128xf32, #tpu.memory_space<vmem>>
    %dma_wait3A_315 = tpu.memref_squeeze %dma_wait3A_314 : memref<1x128xf32, #tpu.memory_space<vmem>> -> memref<128xf32, #tpu.memory_space<vmem>>
    %dma_wait3A_316 = arith.constant 0 : i32
    %dma_wait3A_317 = tpu.memref_slice %arg5[%dma_wait3A_311, %dma_wait3A_316] : memref<16x128xi32, #tpu.memory_space<vmem>> -> memref<1x128xi32, #tpu.memory_space<vmem>>
    %dma_wait3A_318 = tpu.memref_squeeze %dma_wait3A_317 : memref<1x128xi32, #tpu.memory_space<vmem>> -> memref<128xi32, #tpu.memory_space<vmem>>
    %dma_wait3A_319 = arith.constant 0 : i32
    %dma_wait3A_320 = tpu.memref_slice %arg2[%dma_wait3A_319] : memref<65536xf32, #tpu.memory_space<hbm>> -> memref<65536xf32, #tpu.memory_space<hbm>>
    tpu.wait_indirect_dma semaphore(%arg7 : memref<!tpu.dma_semaphore, #tpu.memory_space<semaphore_mem>>) src(%dma_wait3A_320 : memref<65536xf32, #tpu.memory_space<hbm>>) dst(%dma_wait3A_315 : memref<128xf32, #tpu.memory_space<vmem>>)
    "tpu.region"() ({
      %run_scoped3A = tpu.sem_alloc : memref<!tpu.dma_semaphore, #tpu.memory_space<semaphore_mem>>
      %dma_start3A_321 = arith.constant 0 : i32
      %dma_start3A_322 = tpu.memref_slice %arg4[%mul3A_2, %dma_start3A_321] : memref<512x128xf32, #tpu.memory_space<hbm>> -> memref<16x128xf32, #tpu.memory_space<hbm>>
      %dma_start3A_323 = arith.constant 0 : i32
      %dma_start3A_324 = tpu.memref_slice %arg4[%mul3A_2, %dma_start3A_323] : memref<512x128xf32, #tpu.memory_space<hbm>> -> memref<16x128xf32, #tpu.memory_space<hbm>>
      tpu.enqueue_dma source(%arg6 : memref<16x128xf32, #tpu.memory_space<vmem>>) target(%dma_start3A_324 : memref<16x128xf32, #tpu.memory_space<hbm>>) target_semaphore(%run_scoped3A : memref<!tpu.dma_semaphore, #tpu.memory_space<semaphore_mem>>)
      %dma_wait3A_325 = arith.constant 0 : i32
      %dma_wait3A_326 = tpu.memref_slice %arg4[%mul3A_2, %dma_wait3A_325] : memref<512x128xf32, #tpu.memory_space<hbm>> -> memref<16x128xf32, #tpu.memory_space<hbm>>
      %dma_wait3A_327 = arith.constant 0 : i32
      %dma_wait3A_328 = tpu.memref_slice %arg4[%mul3A_2, %dma_wait3A_327] : memref<512x128xf32, #tpu.memory_space<hbm>> -> memref<16x128xf32, #tpu.memory_space<hbm>>
      tpu.wait_dma2 semaphore(%run_scoped3A : memref<!tpu.dma_semaphore, #tpu.memory_space<semaphore_mem>>) src(%arg6 : memref<16x128xf32, #tpu.memory_space<vmem>>) dst(%dma_wait3A_328 : memref<16x128xf32, #tpu.memory_space<hbm>>)
      tpu.yield
    }) : () -> ()
    return
  }
}

module attributes {stable_mosaic.version = 14 : i64} {
  func.func @_scores_body(%arg0: i32, %arg1: memref<16384x64xf32, #tpu.memory_space<vmem>>, %arg2: memref<64x8xf32, #tpu.memory_space<vmem>>, %arg3: memref<8xf32, #tpu.memory_space<vmem>>, %arg4: memref<8x1xf32, #tpu.memory_space<vmem>>, %arg5: memref<1xf32, #tpu.memory_space<vmem>>, %arg6: memref<16384xf32, #tpu.memory_space<vmem>>) attributes {dimension_semantics = [#tpu.dimension_semantics<arbitrary>], iteration_bounds = array<i64: 4>, scalar_prefetch = 0 : i64, scratch_operands = 0 : i64, tpu.core_type = #tpu.core_type<tc>, window_params = [{transform_indices = @transform_0, window_bounds = array<i64: 16384, 64>}, {pipeline_mode = #tpu.pipeline_mode<synchronous>, transform_indices = @transform_1, window_bounds = array<i64: 64, 8>}, {pipeline_mode = #tpu.pipeline_mode<synchronous>, transform_indices = @transform_2, window_bounds = array<i64: 8>}, {pipeline_mode = #tpu.pipeline_mode<synchronous>, transform_indices = @transform_3, window_bounds = array<i64: 8, 1>}, {pipeline_mode = #tpu.pipeline_mode<synchronous>, transform_indices = @transform_4, window_bounds = array<i64: 1>}, {transform_indices = @transform_5, window_bounds = array<i64: 16384>}]} {
    %get3A = arith.constant 0 : index
    %get3A_0 = arith.constant 0 : index
    %get3A_1 = vector.load %arg1[%get3A, %get3A_0] : memref<16384x64xf32, #tpu.memory_space<vmem>>, vector<16384x64xf32>
    %get3A_2 = arith.constant 0 : index
    %get3A_3 = arith.constant 0 : index
    %get3A_4 = vector.load %arg2[%get3A_2, %get3A_3] : memref<64x8xf32, #tpu.memory_space<vmem>>, vector<64x8xf32>
    %dot_general3A = arith.constant dense<0.000000e+00> : vector<16384x8xf32>
    %dot_general3A_5 = tpu.matmul %get3A_1, %get3A_4, %dot_general3A {dimension_numbers = #tpu.dot_dimension_numbers<[1], [0], [0], [1], [0, 0, 1, 1], [], []>, transpose_lhs_hint = false} : vector<16384x64xf32>, vector<64x8xf32>, vector<16384x8xf32> -> vector<16384x8xf32>
    %get3A_6 = arith.constant 0 : index
    %get3A_7 = vector.load %arg3[%get3A_6] : memref<8xf32, #tpu.memory_space<vmem>>, vector<8xf32>
    %reshape3A = vector.shape_cast %get3A_7 : vector<8xf32> to vector<1x8xf32>
    %add3A = vector.broadcast %reshape3A : vector<1x8xf32> to vector<16384x8xf32>
    %add3A_8 = arith.addf %dot_general3A_5, %add3A : vector<16384x8xf32>
    %tanh3A = math.tanh %add3A_8 : vector<16384x8xf32>
    %get3A_9 = arith.constant 0 : index
    %get3A_10 = arith.constant 0 : index
    %get3A_11 = vector.load %arg4[%get3A_9, %get3A_10] : memref<8x1xf32, #tpu.memory_space<vmem>>, vector<8x1xf32>
    %dot_general3A_12 = arith.constant dense<0.000000e+00> : vector<1x16384xf32>
    %dot_general3A_13 = tpu.matmul %get3A_11, %tanh3A, %dot_general3A_12 {dimension_numbers = #tpu.dot_dimension_numbers<[0], [1], [1], [0], [0, 1, 1, 0], [], []>, transpose_lhs_hint = false} : vector<8x1xf32>, vector<16384x8xf32>, vector<1x16384xf32> -> vector<1x16384xf32>
    %get3A_14 = arith.constant 0 : index
    %get3A_15 = vector.load %arg5[%get3A_14] : memref<1xf32, #tpu.memory_space<vmem>>, vector<1xf32>
    %reshape3A_16 = vector.shape_cast %get3A_15 : vector<1xf32> to vector<1x1xf32>
    %add3A_17 = vector.broadcast %reshape3A_16 : vector<1x1xf32> to vector<1x16384xf32>
    %add3A_18 = arith.addf %dot_general3A_13, %add3A_17 : vector<1x16384xf32>
    %reshape3A_19 = vector.shape_cast %add3A_18 : vector<1x16384xf32> to vector<16384xf32>
    %swap3A = arith.constant 0 : index
    %swap3A_20 = vector.load %arg6[%swap3A] : memref<16384xf32, #tpu.memory_space<vmem>>, vector<16384xf32>
    tpu.vector_store %arg6[%swap3A], %reshape3A_19 {strides = array<i32>} : memref<16384xf32, #tpu.memory_space<vmem>>, vector<16384xf32>,
    return
  }
  func.func @transform_0(%arg0: i32) -> (i32, i32) {
    %c0_i32 = arith.constant 0 : i32
    %c0_i32_0 = arith.constant 0 : i32
    return %arg0, %c0_i32 : i32, i32
  }
  func.func @transform_1(%arg0: i32) -> (i32, i32) {
    %c0_i32 = arith.constant 0 : i32
    %c0_i32_0 = arith.constant 0 : i32
    %c0_i32_1 = arith.constant 0 : i32
    return %c0_i32, %c0_i32_0 : i32, i32
  }
  func.func @transform_2(%arg0: i32) -> i32 {
    %c0_i32 = arith.constant 0 : i32
    %c0_i32_0 = arith.constant 0 : i32
    return %c0_i32 : i32
  }
  func.func @transform_3(%arg0: i32) -> (i32, i32) {
    %c0_i32 = arith.constant 0 : i32
    %c0_i32_0 = arith.constant 0 : i32
    %c0_i32_1 = arith.constant 0 : i32
    return %c0_i32, %c0_i32_0 : i32, i32
  }
  func.func @transform_4(%arg0: i32) -> i32 {
    %c0_i32 = arith.constant 0 : i32
    %c0_i32_0 = arith.constant 0 : i32
    return %c0_i32 : i32
  }
  func.func @transform_5(%arg0: i32) -> i32 {
    %c0_i32 = arith.constant 0 : i32
    return %arg0 : i32
  }
}

module attributes {stable_mosaic.version = 14 : i64} {
  func.func @_fused_body(%arg0: i32, %arg1: memref<512x128xf32, #tpu.memory_space<vmem>>, %arg2: memref<256x64xf32, #tpu.memory_space<vmem>>, %arg3: memref<256x64xf32, #tpu.memory_space<vmem>>, %arg4: memref<256x64xf32, #tpu.memory_space<vmem>>, %arg5: memref<2x4096xi32, #tpu.memory_space<vmem>>, %arg6: memref<2x4096xi32, #tpu.memory_space<vmem>>, %arg7: memref<64x32xf32, #tpu.memory_space<vmem>>, %arg8: memref<32xf32, #tpu.memory_space<vmem>>, %arg9: memref<32x16xf32, #tpu.memory_space<vmem>>, %arg10: memref<16xf32, #tpu.memory_space<vmem>>, %arg11: memref<16x16xf32, #tpu.memory_space<vmem>>, %arg12: memref<16xf32, #tpu.memory_space<vmem>>, %arg13: memref<64x32xf32, #tpu.memory_space<vmem>>, %arg14: memref<32xf32, #tpu.memory_space<vmem>>, %arg15: memref<32x16xf32, #tpu.memory_space<vmem>>, %arg16: memref<16xf32, #tpu.memory_space<vmem>>, %arg17: memref<16x16xf32, #tpu.memory_space<vmem>>, %arg18: memref<16xf32, #tpu.memory_space<vmem>>, %arg19: memref<352x64xf32, #tpu.memory_space<vmem>>, %arg20: memref<64xf32, #tpu.memory_space<vmem>>, %arg21: memref<64x32xf32, #tpu.memory_space<vmem>>, %arg22: memref<32xf32, #tpu.memory_space<vmem>>, %arg23: memref<32x1xf32, #tpu.memory_space<vmem>>, %arg24: memref<1xf32, #tpu.memory_space<vmem>>, %arg25: memref<256x256xf32, #tpu.memory_space<vmem>>, %arg26: memref<256x176xf32, #tpu.memory_space<vmem>>, %arg27: memref<256x176xf32, #tpu.memory_space<vmem>>, %arg28: memref<256x64xf32, #tpu.memory_space<vmem>>, %arg29: memref<256x64xf32, #tpu.memory_space<vmem>>) attributes {dimension_semantics = [#tpu.dimension_semantics<arbitrary>], iteration_bounds = array<i64: 1>, scalar_prefetch = 0 : i64, scratch_operands = 2 : i64, tpu.core_type = #tpu.core_type<tc>, window_params = [{pipeline_mode = #tpu.pipeline_mode<synchronous>, transform_indices = @transform_0, window_bounds = array<i64: 512, 128>}, {pipeline_mode = #tpu.pipeline_mode<synchronous>, transform_indices = @transform_1, window_bounds = array<i64: 256, 64>}, {pipeline_mode = #tpu.pipeline_mode<synchronous>, transform_indices = @transform_2, window_bounds = array<i64: 256, 64>}, {pipeline_mode = #tpu.pipeline_mode<synchronous>, transform_indices = @transform_3, window_bounds = array<i64: 256, 64>}, {pipeline_mode = #tpu.pipeline_mode<synchronous>, transform_indices = @transform_4, window_bounds = array<i64: 2, 4096>}, {pipeline_mode = #tpu.pipeline_mode<synchronous>, transform_indices = @transform_5, window_bounds = array<i64: 2, 4096>}, {pipeline_mode = #tpu.pipeline_mode<synchronous>, transform_indices = @transform_6, window_bounds = array<i64: 64, 32>}, {pipeline_mode = #tpu.pipeline_mode<synchronous>, transform_indices = @transform_7, window_bounds = array<i64: 32>}, {pipeline_mode = #tpu.pipeline_mode<synchronous>, transform_indices = @transform_8, window_bounds = array<i64: 32, 16>}, {pipeline_mode = #tpu.pipeline_mode<synchronous>, transform_indices = @transform_9, window_bounds = array<i64: 16>}, {pipeline_mode = #tpu.pipeline_mode<synchronous>, transform_indices = @transform_10, window_bounds = array<i64: 16, 16>}, {pipeline_mode = #tpu.pipeline_mode<synchronous>, transform_indices = @transform_11, window_bounds = array<i64: 16>}, {pipeline_mode = #tpu.pipeline_mode<synchronous>, transform_indices = @transform_12, window_bounds = array<i64: 64, 32>}, {pipeline_mode = #tpu.pipeline_mode<synchronous>, transform_indices = @transform_13, window_bounds = array<i64: 32>}, {pipeline_mode = #tpu.pipeline_mode<synchronous>, transform_indices = @transform_14, window_bounds = array<i64: 32, 16>}, {pipeline_mode = #tpu.pipeline_mode<synchronous>, transform_indices = @transform_15, window_bounds = array<i64: 16>}, {pipeline_mode = #tpu.pipeline_mode<synchronous>, transform_indices = @transform_16, window_bounds = array<i64: 16, 16>}, {pipeline_mode = #tpu.pipeline_mode<synchronous>, transform_indices = @transform_17, window_bounds = array<i64: 16>}, {pipeline_mode = #tpu.pipeline_mode<synchronous>, transform_indices = @transform_18, window_bounds = array<i64: 352, 64>}, {pipeline_mode = #tpu.pipeline_mode<synchronous>, transform_indices = @transform_19, window_bounds = array<i64: 64>}, {pipeline_mode = #tpu.pipeline_mode<synchronous>, transform_indices = @transform_20, window_bounds = array<i64: 64, 32>}, {pipeline_mode = #tpu.pipeline_mode<synchronous>, transform_indices = @transform_21, window_bounds = array<i64: 32>}, {pipeline_mode = #tpu.pipeline_mode<synchronous>, transform_indices = @transform_22, window_bounds = array<i64: 32, 1>}, {pipeline_mode = #tpu.pipeline_mode<synchronous>, transform_indices = @transform_23, window_bounds = array<i64: 1>}, {transform_indices = @transform_24, window_bounds = array<i64: 256, 256>}, {pipeline_mode = #tpu.pipeline_mode<synchronous>, transform_indices = @transform_25, window_bounds = array<i64: 256, 176>}, {pipeline_mode = #tpu.pipeline_mode<synchronous>, transform_indices = @transform_26, window_bounds = array<i64: 256, 176>}]} {
    %eq3A = arith.constant 0 : i32
    %eq3A_0 = arith.cmpi eq, %arg0, %eq3A : i32
    %convert_element_type3A = arith.extui %eq3A_0 : i1 to i32
    %cond3A = arith.constant 0 : i32
    %cond3A_1 = arith.cmpi ne, %convert_element_type3A, %cond3A : i32
    scf.if %cond3A_1 {
      %get3A_49 = arith.constant 0 : index
      %get3A_50 = arith.constant 0 : index
      %get3A_51 = vector.load %arg1[%get3A_49, %get3A_50] : memref<512x128xf32, #tpu.memory_space<vmem>>, vector<512x128xf32>
      %reshape3A_52 = vector.shape_cast %get3A_51 : vector<512x128xf32> to vector<256x256xf32>
      %reduce_max3A = arith.constant dense<0xFF800000> : vector<256xf32>
      %reduce_max3A_53 = vector.multi_reduction <maximumf>, %reshape3A_52, %reduce_max3A [1] : vector<256x256xf32> to vector<256xf32>
      %broadcast_in_dim3A = vector.shape_cast %reduce_max3A_53 : vector<256xf32> to vector<256x1xf32>
      %sub3A = vector.broadcast %broadcast_in_dim3A : vector<256x1xf32> to vector<256x256xf32>
      %sub3A_54 = arith.subf %reshape3A_52, %sub3A : vector<256x256xf32>
      %exp3A = math.exp %sub3A_54 : vector<256x256xf32>
      %reduce_sum3A_55 = arith.constant dense<0.000000e+00> : vector<256xf32>
      %reduce_sum3A_56 = vector.multi_reduction <add>, %exp3A, %reduce_sum3A_55 [1] : vector<256x256xf32> to vector<256xf32>
      %broadcast_in_dim3A_57 = vector.shape_cast %reduce_sum3A_56 : vector<256xf32> to vector<256x1xf32>
      %slice3A = vector.extract_strided_slice %exp3A {offsets = [0, 255], sizes = [256, 1], strides = [1, 1]} : vector<256x256xf32> to vector<256x1xf32>
      %div3A = arith.divf %slice3A, %broadcast_in_dim3A_57 : vector<256x1xf32>
      %get3A_58 = arith.constant 0 : index
      %get3A_59 = arith.constant 0 : index
      %get3A_60 = vector.load %arg3[%get3A_58, %get3A_59] : memref<256x64xf32, #tpu.memory_space<vmem>>, vector<256x64xf32>
      %get3A_61 = arith.constant 0 : index
      %get3A_62 = arith.constant 0 : index
      %get3A_63 = vector.load %arg2[%get3A_61, %get3A_62] : memref<256x64xf32, #tpu.memory_space<vmem>>, vector<256x64xf32>
      %mul3A_64 = arith.constant 2.560000e+02 : f32
      %mul3A_65 = vector.broadcast %mul3A_64 : f32 to vector<256x64xf32>
      %mul3A_66 = arith.mulf %mul3A_65, %get3A_63 : vector<256x64xf32>
      %mul3A_67 = vector.broadcast %div3A : vector<256x1xf32> to vector<256x64xf32>
      %mul3A_68 = arith.mulf %mul3A_66, %mul3A_67 : vector<256x64xf32>
      %add3A_69 = arith.addf %get3A_60, %mul3A_68 : vector<256x64xf32>
      %iota3A = tpu.iota {dimensions = array<i32: 0>} : vector<256x256xi32>
      %iota3A_70 = tpu.iota {dimensions = array<i32: 1>} : vector<256x256xi32>
      %eq3A_71 = arith.cmpi eq, %iota3A, %iota3A_70 : vector<256x256xi32>
      %convert_element_type3A_72 = arith.extui %eq3A_71 : vector<256x256xi1> to vector<256x256xi32>
      %convert_element_type3A_73 = arith.sitofp %convert_element_type3A_72 : vector<256x256xi32> to vector<256x256xf32>
      %get3A_74 = arith.constant 0 : index
      %get3A_75 = arith.constant 0 : index
      %get3A_76 = vector.load %arg5[%get3A_74, %get3A_75] : memref<2x4096xi32, #tpu.memory_space<vmem>>, vector<1x4096xi32>
      %get3A_77 = arith.constant 1 : index
      %get3A_78 = arith.constant 0 : index
      %get3A_79 = vector.load %arg5[%get3A_77, %get3A_78] : memref<2x4096xi32, #tpu.memory_space<vmem>>, vector<1x4096xi32>
      %iota3A_80 = tpu.iota {dimensions = array<i32: 0>} : vector<256x4096xi32>
      %eq3A_81 = vector.broadcast %get3A_79 : vector<1x4096xi32> to vector<256x4096xi32>
      %eq3A_82 = arith.cmpi eq, %iota3A_80, %eq3A_81 : vector<256x4096xi32>
      %convert_element_type3A_83 = arith.extui %eq3A_82 : vector<256x4096xi1> to vector<256x4096xi32>
      %convert_element_type3A_84 = arith.sitofp %convert_element_type3A_83 : vector<256x4096xi32> to vector<256x4096xf32>
      %convert_element_type3A_85 = arith.truncf %convert_element_type3A_84 : vector<256x4096xf32> to vector<256x4096xbf16>
      %iota3A_86 = tpu.iota {dimensions = array<i32: 0>} : vector<256x4096xi32>
      %eq3A_87 = vector.broadcast %get3A_76 : vector<1x4096xi32> to vector<256x4096xi32>
      %eq3A_88 = arith.cmpi eq, %iota3A_86, %eq3A_87 : vector<256x4096xi32>
      %convert_element_type3A_89 = arith.extui %eq3A_88 : vector<256x4096xi1> to vector<256x4096xi32>
      %convert_element_type3A_90 = arith.sitofp %convert_element_type3A_89 : vector<256x4096xi32> to vector<256x4096xf32>
      %convert_element_type3A_91 = arith.truncf %convert_element_type3A_90 : vector<256x4096xf32> to vector<256x4096xbf16>
      %dot_general3A_92 = arith.constant dense<0.000000e+00> : vector<256x256xf32>
      %dot_general3A_93 = tpu.matmul %convert_element_type3A_85, %convert_element_type3A_91, %dot_general3A_92 {dimension_numbers = #tpu.dot_dimension_numbers<[1], [1], [0], [0], [0, 0, 1, 0], [], []>, transpose_lhs_hint = false} : vector<256x4096xbf16>, vector<256x4096xbf16>, vector<256x256xf32> -> vector<256x256xf32>
      %reduce_sum3A_94 = arith.constant dense<0.000000e+00> : vector<256xf32>
      %reduce_sum3A_95 = vector.multi_reduction <add>, %dot_general3A_93, %reduce_sum3A_94 [1] : vector<256x256xf32> to vector<256xf32>
      %broadcast_in_dim3A_96 = vector.shape_cast %reduce_sum3A_95 : vector<256xf32> to vector<256x1xf32>
      %add3A_97 = arith.constant 1.000000e+00 : f32
      %add3A_98 = vector.broadcast %add3A_97 : f32 to vector<256x1xf32>
      %add3A_99 = arith.addf %broadcast_in_dim3A_96, %add3A_98 : vector<256x1xf32>
      %rsqrt3A = math.rsqrt %add3A_99 : vector<256x1xf32>
      %add3A_100 = arith.addf %dot_general3A_93, %convert_element_type3A_73 : vector<256x256xf32>
      %get3A_101 = arith.constant 0 : index
      %get3A_102 = arith.constant 0 : index
      %get3A_103 = vector.load %arg7[%get3A_101, %get3A_102] : memref<64x32xf32, #tpu.memory_space<vmem>>, vector<64x32xf32>
      %dot_general3A_104 = arith.constant dense<0.000000e+00> : vector<256x32xf32>
      %dot_general3A_105 = tpu.matmul %add3A_69, %get3A_103, %dot_general3A_104 {dimension_numbers = #tpu.dot_dimension_numbers<[1], [0], [0], [1], [0, 0, 1, 1], [], []>, transpose_lhs_hint = false} : vector<256x64xf32>, vector<64x32xf32>, vector<256x32xf32> -> vector<256x32xf32>
      %mul3A_106 = vector.broadcast %rsqrt3A : vector<256x1xf32> to vector<256x32xf32>
      %mul3A_107 = arith.mulf %mul3A_106, %dot_general3A_105 : vector<256x32xf32>
      %dot_general3A_108 = arith.constant dense<0.000000e+00> : vector<256x32xf32>
      %dot_general3A_109 = tpu.matmul %add3A_100, %mul3A_107, %dot_general3A_108 {dimension_numbers = #tpu.dot_dimension_numbers<[1], [0], [0], [1], [0, 0, 1, 1], [], []>, transpose_lhs_hint = false} : vector<256x256xf32>, vector<256x32xf32>, vector<256x32xf32> -> vector<256x32xf32>
      %mul3A_110 = vector.broadcast %rsqrt3A : vector<256x1xf32> to vector<256x32xf32>
      %mul3A_111 = arith.mulf %mul3A_110, %dot_general3A_109 : vector<256x32xf32>
      %get3A_112 = arith.constant 0 : index
      %get3A_113 = vector.load %arg8[%get3A_112] : memref<32xf32, #tpu.memory_space<vmem>>, vector<32xf32>
      %reshape3A_114 = vector.shape_cast %get3A_113 : vector<32xf32> to vector<1x32xf32>
      %add3A_115 = vector.broadcast %reshape3A_114 : vector<1x32xf32> to vector<256x32xf32>
      %add3A_116 = arith.addf %mul3A_111, %add3A_115 : vector<256x32xf32>
      %max3A_117 = arith.constant 0.000000e+00 : f32
      %max3A_118 = vector.broadcast %max3A_117 : f32 to vector<256x32xf32>
      %max3A_119 = arith.maximumf %add3A_116, %max3A_118 : vector<256x32xf32>
      %get3A_120 = arith.constant 0 : index
      %get3A_121 = arith.constant 0 : index
      %get3A_122 = vector.load %arg9[%get3A_120, %get3A_121] : memref<32x16xf32, #tpu.memory_space<vmem>>, vector<32x16xf32>
      %dot_general3A_123 = arith.constant dense<0.000000e+00> : vector<256x16xf32>
      %dot_general3A_124 = tpu.matmul %max3A_119, %get3A_122, %dot_general3A_123 {dimension_numbers = #tpu.dot_dimension_numbers<[1], [0], [0], [1], [0, 0, 1, 1], [], []>, transpose_lhs_hint = false} : vector<256x32xf32>, vector<32x16xf32>, vector<256x16xf32> -> vector<256x16xf32>
      %mul3A_125 = vector.broadcast %rsqrt3A : vector<256x1xf32> to vector<256x16xf32>
      %mul3A_126 = arith.mulf %mul3A_125, %dot_general3A_124 : vector<256x16xf32>
      %dot_general3A_127 = arith.constant dense<0.000000e+00> : vector<256x16xf32>
      %dot_general3A_128 = tpu.matmul %add3A_100, %mul3A_126, %dot_general3A_127 {dimension_numbers = #tpu.dot_dimension_numbers<[1], [0], [0], [1], [0, 0, 1, 1], [], []>, transpose_lhs_hint = false} : vector<256x256xf32>, vector<256x16xf32>, vector<256x16xf32> -> vector<256x16xf32>
      %mul3A_129 = vector.broadcast %rsqrt3A : vector<256x1xf32> to vector<256x16xf32>
      %mul3A_130 = arith.mulf %mul3A_129, %dot_general3A_128 : vector<256x16xf32>
      %get3A_131 = arith.constant 0 : index
      %get3A_132 = vector.load %arg10[%get3A_131] : memref<16xf32, #tpu.memory_space<vmem>>, vector<16xf32>
      %reshape3A_133 = vector.shape_cast %get3A_132 : vector<16xf32> to vector<1x16xf32>
      %add3A_134 = vector.broadcast %reshape3A_133 : vector<1x16xf32> to vector<256x16xf32>
      %add3A_135 = arith.addf %mul3A_130, %add3A_134 : vector<256x16xf32>
      %max3A_136 = arith.constant 0.000000e+00 : f32
      %max3A_137 = vector.broadcast %max3A_136 : f32 to vector<256x16xf32>
      %max3A_138 = arith.maximumf %add3A_135, %max3A_137 : vector<256x16xf32>
      %get3A_139 = arith.constant 0 : index
      %get3A_140 = arith.constant 0 : index
      %get3A_141 = vector.load %arg11[%get3A_139, %get3A_140] : memref<16x16xf32, #tpu.memory_space<vmem>>, vector<16x16xf32>
      %dot_general3A_142 = arith.constant dense<0.000000e+00> : vector<256x16xf32>
      %dot_general3A_143 = tpu.matmul %max3A_138, %get3A_141, %dot_general3A_142 {dimension_numbers = #tpu.dot_dimension_numbers<[1], [0], [0], [1], [0, 0, 1, 1], [], []>, transpose_lhs_hint = false} : vector<256x16xf32>, vector<16x16xf32>, vector<256x16xf32> -> vector<256x16xf32>
      %mul3A_144 = vector.broadcast %rsqrt3A : vector<256x1xf32> to vector<256x16xf32>
      %mul3A_145 = arith.mulf %mul3A_144, %dot_general3A_143 : vector<256x16xf32>
      %dot_general3A_146 = arith.constant dense<0.000000e+00> : vector<256x16xf32>
      %dot_general3A_147 = tpu.matmul %add3A_100, %mul3A_145, %dot_general3A_146 {dimension_numbers = #tpu.dot_dimension_numbers<[1], [0], [0], [1], [0, 0, 1, 1], [], []>, transpose_lhs_hint = false} : vector<256x256xf32>, vector<256x16xf32>, vector<256x16xf32> -> vector<256x16xf32>
      %mul3A_148 = vector.broadcast %rsqrt3A : vector<256x1xf32> to vector<256x16xf32>
      %mul3A_149 = arith.mulf %mul3A_148, %dot_general3A_147 : vector<256x16xf32>
      %get3A_150 = arith.constant 0 : index
      %get3A_151 = vector.load %arg12[%get3A_150] : memref<16xf32, #tpu.memory_space<vmem>>, vector<16xf32>
      %reshape3A_152 = vector.shape_cast %get3A_151 : vector<16xf32> to vector<1x16xf32>
      %add3A_153 = vector.broadcast %reshape3A_152 : vector<1x16xf32> to vector<256x16xf32>
      %add3A_154 = arith.addf %mul3A_149, %add3A_153 : vector<256x16xf32>
      %max3A_155 = arith.constant 0.000000e+00 : f32
      %max3A_156 = vector.broadcast %max3A_155 : f32 to vector<256x16xf32>
      %max3A_157 = arith.maximumf %add3A_154, %max3A_156 : vector<256x16xf32>
      %get3A_158 = arith.constant 0 : index
      %get3A_159 = arith.constant 0 : index
      %get3A_160 = vector.load %arg6[%get3A_158, %get3A_159] : memref<2x4096xi32, #tpu.memory_space<vmem>>, vector<1x4096xi32>
      %get3A_161 = arith.constant 1 : index
      %get3A_162 = arith.constant 0 : index
      %get3A_163 = vector.load %arg6[%get3A_161, %get3A_162] : memref<2x4096xi32, #tpu.memory_space<vmem>>, vector<1x4096xi32>
      %iota3A_164 = tpu.iota {dimensions = array<i32: 0>} : vector<256x4096xi32>
      %eq3A_165 = vector.broadcast %get3A_163 : vector<1x4096xi32> to vector<256x4096xi32>
      %eq3A_166 = arith.cmpi eq, %iota3A_164, %eq3A_165 : vector<256x4096xi32>
      %convert_element_type3A_167 = arith.extui %eq3A_166 : vector<256x4096xi1> to vector<256x4096xi32>
      %convert_element_type3A_168 = arith.sitofp %convert_element_type3A_167 : vector<256x4096xi32> to vector<256x4096xf32>
      %convert_element_type3A_169 = arith.truncf %convert_element_type3A_168 : vector<256x4096xf32> to vector<256x4096xbf16>
      %iota3A_170 = tpu.iota {dimensions = array<i32: 0>} : vector<256x4096xi32>
      %eq3A_171 = vector.broadcast %get3A_160 : vector<1x4096xi32> to vector<256x4096xi32>
      %eq3A_172 = arith.cmpi eq, %iota3A_170, %eq3A_171 : vector<256x4096xi32>
      %convert_element_type3A_173 = arith.extui %eq3A_172 : vector<256x4096xi1> to vector<256x4096xi32>
      %convert_element_type3A_174 = arith.sitofp %convert_element_type3A_173 : vector<256x4096xi32> to vector<256x4096xf32>
      %convert_element_type3A_175 = arith.truncf %convert_element_type3A_174 : vector<256x4096xf32> to vector<256x4096xbf16>
      %dot_general3A_176 = arith.constant dense<0.000000e+00> : vector<256x256xf32>
      %dot_general3A_177 = tpu.matmul %convert_element_type3A_169, %convert_element_type3A_175, %dot_general3A_176 {dimension_numbers = #tpu.dot_dimension_numbers<[1], [1], [0], [0], [0, 0, 1, 0], [], []>, transpose_lhs_hint = false} : vector<256x4096xbf16>, vector<256x4096xbf16>, vector<256x256xf32> -> vector<256x256xf32>
      %reduce_sum3A_178 = arith.constant dense<0.000000e+00> : vector<256xf32>
      %reduce_sum3A_179 = vector.multi_reduction <add>, %dot_general3A_177, %reduce_sum3A_178 [1] : vector<256x256xf32> to vector<256xf32>
      %broadcast_in_dim3A_180 = vector.shape_cast %reduce_sum3A_179 : vector<256xf32> to vector<256x1xf32>
      %add3A_181 = arith.constant 1.000000e+00 : f32
      %add3A_182 = vector.broadcast %add3A_181 : f32 to vector<256x1xf32>
      %add3A_183 = arith.addf %broadcast_in_dim3A_180, %add3A_182 : vector<256x1xf32>
      %rsqrt3A_184 = math.rsqrt %add3A_183 : vector<256x1xf32>
      %add3A_185 = arith.addf %dot_general3A_177, %convert_element_type3A_73 : vector<256x256xf32>
      %get3A_186 = arith.constant 0 : index
      %get3A_187 = arith.constant 0 : index
      %get3A_188 = vector.load %arg4[%get3A_186, %get3A_187] : memref<256x64xf32, #tpu.memory_space<vmem>>, vector<256x64xf32>
      %get3A_189 = arith.constant 0 : index
      %get3A_190 = arith.constant 0 : index
      %get3A_191 = vector.load %arg13[%get3A_189, %get3A_190] : memref<64x32xf32, #tpu.memory_space<vmem>>, vector<64x32xf32>
      %dot_general3A_192 = arith.constant dense<0.000000e+00> : vector<256x32xf32>
      %dot_general3A_193 = tpu.matmul %get3A_188, %get3A_191, %dot_general3A_192 {dimension_numbers = #tpu.dot_dimension_numbers<[1], [0], [0], [1], [0, 0, 1, 1], [], []>, transpose_lhs_hint = false} : vector<256x64xf32>, vector<64x32xf32>, vector<256x32xf32> -> vector<256x32xf32>
      %mul3A_194 = vector.broadcast %rsqrt3A_184 : vector<256x1xf32> to vector<256x32xf32>
      %mul3A_195 = arith.mulf %mul3A_194, %dot_general3A_193 : vector<256x32xf32>
      %dot_general3A_196 = arith.constant dense<0.000000e+00> : vector<256x32xf32>
      %dot_general3A_197 = tpu.matmul %add3A_185, %mul3A_195, %dot_general3A_196 {dimension_numbers = #tpu.dot_dimension_numbers<[1], [0], [0], [1], [0, 0, 1, 1], [], []>, transpose_lhs_hint = false} : vector<256x256xf32>, vector<256x32xf32>, vector<256x32xf32> -> vector<256x32xf32>
      %mul3A_198 = vector.broadcast %rsqrt3A_184 : vector<256x1xf32> to vector<256x32xf32>
      %mul3A_199 = arith.mulf %mul3A_198, %dot_general3A_197 : vector<256x32xf32>
      %get3A_200 = arith.constant 0 : index
      %get3A_201 = vector.load %arg14[%get3A_200] : memref<32xf32, #tpu.memory_space<vmem>>, vector<32xf32>
      %reshape3A_202 = vector.shape_cast %get3A_201 : vector<32xf32> to vector<1x32xf32>
      %add3A_203 = vector.broadcast %reshape3A_202 : vector<1x32xf32> to vector<256x32xf32>
      %add3A_204 = arith.addf %mul3A_199, %add3A_203 : vector<256x32xf32>
      %max3A_205 = arith.constant 0.000000e+00 : f32
      %max3A_206 = vector.broadcast %max3A_205 : f32 to vector<256x32xf32>
      %max3A_207 = arith.maximumf %add3A_204, %max3A_206 : vector<256x32xf32>
      %get3A_208 = arith.constant 0 : index
      %get3A_209 = arith.constant 0 : index
      %get3A_210 = vector.load %arg15[%get3A_208, %get3A_209] : memref<32x16xf32, #tpu.memory_space<vmem>>, vector<32x16xf32>
      %dot_general3A_211 = arith.constant dense<0.000000e+00> : vector<256x16xf32>
      %dot_general3A_212 = tpu.matmul %max3A_207, %get3A_210, %dot_general3A_211 {dimension_numbers = #tpu.dot_dimension_numbers<[1], [0], [0], [1], [0, 0, 1, 1], [], []>, transpose_lhs_hint = false} : vector<256x32xf32>, vector<32x16xf32>, vector<256x16xf32> -> vector<256x16xf32>
      %mul3A_213 = vector.broadcast %rsqrt3A_184 : vector<256x1xf32> to vector<256x16xf32>
      %mul3A_214 = arith.mulf %mul3A_213, %dot_general3A_212 : vector<256x16xf32>
      %dot_general3A_215 = arith.constant dense<0.000000e+00> : vector<256x16xf32>
      %dot_general3A_216 = tpu.matmul %add3A_185, %mul3A_214, %dot_general3A_215 {dimension_numbers = #tpu.dot_dimension_numbers<[1], [0], [0], [1], [0, 0, 1, 1], [], []>, transpose_lhs_hint = false} : vector<256x256xf32>, vector<256x16xf32>, vector<256x16xf32> -> vector<256x16xf32>
      %mul3A_217 = vector.broadcast %rsqrt3A_184 : vector<256x1xf32> to vector<256x16xf32>
      %mul3A_218 = arith.mulf %mul3A_217, %dot_general3A_216 : vector<256x16xf32>
      %get3A_219 = arith.constant 0 : index
      %get3A_220 = vector.load %arg16[%get3A_219] : memref<16xf32, #tpu.memory_space<vmem>>, vector<16xf32>
      %reshape3A_221 = vector.shape_cast %get3A_220 : vector<16xf32> to vector<1x16xf32>
      %add3A_222 = vector.broadcast %reshape3A_221 : vector<1x16xf32> to vector<256x16xf32>
      %add3A_223 = arith.addf %mul3A_218, %add3A_222 : vector<256x16xf32>
      %max3A_224 = arith.constant 0.000000e+00 : f32
      %max3A_225 = vector.broadcast %max3A_224 : f32 to vector<256x16xf32>
      %max3A_226 = arith.maximumf %add3A_223, %max3A_225 : vector<256x16xf32>
      %get3A_227 = arith.constant 0 : index
      %get3A_228 = arith.constant 0 : index
      %get3A_229 = vector.load %arg17[%get3A_227, %get3A_228] : memref<16x16xf32, #tpu.memory_space<vmem>>, vector<16x16xf32>
      %dot_general3A_230 = arith.constant dense<0.000000e+00> : vector<256x16xf32>
      %dot_general3A_231 = tpu.matmul %max3A_226, %get3A_229, %dot_general3A_230 {dimension_numbers = #tpu.dot_dimension_numbers<[1], [0], [0], [1], [0, 0, 1, 1], [], []>, transpose_lhs_hint = false} : vector<256x16xf32>, vector<16x16xf32>, vector<256x16xf32> -> vector<256x16xf32>
      %mul3A_232 = vector.broadcast %rsqrt3A_184 : vector<256x1xf32> to vector<256x16xf32>
      %mul3A_233 = arith.mulf %mul3A_232, %dot_general3A_231 : vector<256x16xf32>
      %dot_general3A_234 = arith.constant dense<0.000000e+00> : vector<256x16xf32>
      %dot_general3A_235 = tpu.matmul %add3A_185, %mul3A_233, %dot_general3A_234 {dimension_numbers = #tpu.dot_dimension_numbers<[1], [0], [0], [1], [0, 0, 1, 1], [], []>, transpose_lhs_hint = false} : vector<256x256xf32>, vector<256x16xf32>, vector<256x16xf32> -> vector<256x16xf32>
      %mul3A_236 = vector.broadcast %rsqrt3A_184 : vector<256x1xf32> to vector<256x16xf32>
      %mul3A_237 = arith.mulf %mul3A_236, %dot_general3A_235 : vector<256x16xf32>
      %get3A_238 = arith.constant 0 : index
      %get3A_239 = vector.load %arg18[%get3A_238] : memref<16xf32, #tpu.memory_space<vmem>>, vector<16xf32>
      %reshape3A_240 = vector.shape_cast %get3A_239 : vector<16xf32> to vector<1x16xf32>
      %add3A_241 = vector.broadcast %reshape3A_240 : vector<1x16xf32> to vector<256x16xf32>
      %add3A_242 = arith.addf %mul3A_237, %add3A_241 : vector<256x16xf32>
      %max3A_243 = arith.constant 0.000000e+00 : f32
      %max3A_244 = vector.broadcast %max3A_243 : f32 to vector<256x16xf32>
      %max3A_245 = arith.maximumf %add3A_242, %max3A_244 : vector<256x16xf32>
      %concatenate3A = tpu.concatenate %max3A_119, %add3A_69, %max3A_138, %max3A_119, %max3A_157, %max3A_138 in 1 : vector<256x32xf32>, vector<256x64xf32>, vector<256x16xf32>, vector<256x32xf32>, vector<256x16xf32>, vector<256x16xf32> -> vector<256x176xf32>
      %concatenate3A_246 = tpu.concatenate %max3A_207, %get3A_188, %max3A_226, %max3A_207, %max3A_245, %max3A_226 in 1 : vector<256x32xf32>, vector<256x64xf32>, vector<256x16xf32>, vector<256x32xf32>, vector<256x16xf32>, vector<256x16xf32> -> vector<256x176xf32>
      %swap3A_247 = arith.constant 0 : index
      %swap3A_248 = arith.constant 0 : index
      %swap3A_249 = vector.load %arg26[%swap3A_247, %swap3A_248] : memref<256x176xf32, #tpu.memory_space<vmem>>, vector<256x176xf32>
      tpu.vector_store %arg26[%swap3A_247, %swap3A_248], %concatenate3A {strides = array<i32>} : memref<256x176xf32, #tpu.memory_space<vmem>>, vector<256x176xf32>,
      %swap3A_250 = arith.constant 0 : index
      %swap3A_251 = arith.constant 0 : index
      %swap3A_252 = vector.load %arg27[%swap3A_250, %swap3A_251] : memref<256x176xf32, #tpu.memory_space<vmem>>, vector<256x176xf32>
      tpu.vector_store %arg27[%swap3A_250, %swap3A_251], %concatenate3A_246 {strides = array<i32>} : memref<256x176xf32, #tpu.memory_space<vmem>>, vector<256x176xf32>,
      %get3A_253 = arith.constant 0 : index
      %get3A_254 = arith.constant 0 : index
      %get3A_255 = vector.load %arg19[%get3A_253, %get3A_254] : memref<352x64xf32, #tpu.memory_space<vmem>>, vector<176x64xf32>
      %dot_general3A_256 = arith.constant dense<0.000000e+00> : vector<256x64xf32>
      %dot_general3A_257 = tpu.matmul %concatenate3A, %get3A_255, %dot_general3A_256 {dimension_numbers = #tpu.dot_dimension_numbers<[1], [0], [0], [1], [0, 0, 1, 1], [], []>, transpose_lhs_hint = false} : vector<256x176xf32>, vector<176x64xf32>, vector<256x64xf32> -> vector<256x64xf32>
      %swap3A_258 = arith.constant 0 : index
      %swap3A_259 = arith.constant 0 : index
      %swap3A_260 = vector.load %arg28[%swap3A_258, %swap3A_259] : memref<256x64xf32, #tpu.memory_space<vmem>>, vector<256x64xf32>
      tpu.vector_store %arg28[%swap3A_258, %swap3A_259], %dot_general3A_257 {strides = array<i32>} : memref<256x64xf32, #tpu.memory_space<vmem>>, vector<256x64xf32>,
      %get3A_261 = arith.constant 176 : index
      %get3A_262 = arith.constant 0 : index
      %get3A_263 = vector.load %arg19[%get3A_261, %get3A_262] : memref<352x64xf32, #tpu.memory_space<vmem>>, vector<176x64xf32>
      %dot_general3A_264 = arith.constant dense<0.000000e+00> : vector<256x64xf32>
      %dot_general3A_265 = tpu.matmul %concatenate3A_246, %get3A_263, %dot_general3A_264 {dimension_numbers = #tpu.dot_dimension_numbers<[1], [0], [0], [1], [0, 0, 1, 1], [], []>, transpose_lhs_hint = false} : vector<256x176xf32>, vector<176x64xf32>, vector<256x64xf32> -> vector<256x64xf32>
      %swap3A_266 = arith.constant 0 : index
      %swap3A_267 = arith.constant 0 : index
      %swap3A_268 = vector.load %arg29[%swap3A_266, %swap3A_267] : memref<256x64xf32, #tpu.memory_space<vmem>>, vector<256x64xf32>
      tpu.vector_store %arg29[%swap3A_266, %swap3A_267], %dot_general3A_265 {strides = array<i32>} : memref<256x64xf32, #tpu.memory_space<vmem>>, vector<256x64xf32>,
    } else {
    }
    %mul3A = arith.constant 256 : i32
    %mul3A_2 = arith.muli %arg0, %mul3A : i32
    %get3A = arith.index_cast %mul3A_2 : i32 to index
    %get3A_3 = arith.constant 0 : index
    %get3A_4 = vector.load %arg28[%get3A, %get3A_3] : memref<256x64xf32, #tpu.memory_space<vmem>>, vector<256x64xf32>
    %reshape3A = vector.shape_cast %get3A_4 : vector<256x64xf32> to vector<256x1x64xf32>
    %get3A_5 = arith.constant 0 : index
    %get3A_6 = arith.constant 0 : index
    %get3A_7 = vector.load %arg29[%get3A_5, %get3A_6] : memref<256x64xf32, #tpu.memory_space<vmem>>, vector<256x64xf32>
    %reshape3A_8 = vector.shape_cast %get3A_7 : vector<256x64xf32> to vector<1x256x64xf32>
    %add3A = vector.broadcast %reshape3A : vector<256x1x64xf32> to vector<256x256x64xf32>
    %add3A_9 = vector.broadcast %reshape3A_8 : vector<1x256x64xf32> to vector<256x256x64xf32>
    %add3A_10 = arith.addf %add3A, %add3A_9 : vector<256x256x64xf32>
    %get3A_11 = arith.constant 0 : index
    %get3A_12 = vector.load %arg20[%get3A_11] : memref<64xf32, #tpu.memory_space<vmem>>, vector<64xf32>
    %reshape3A_13 = vector.shape_cast %get3A_12 : vector<64xf32> to vector<1x1x64xf32>
    %add3A_14 = vector.broadcast %reshape3A_13 : vector<1x1x64xf32> to vector<256x256x64xf32>
    %add3A_15 = arith.addf %add3A_10, %add3A_14 : vector<256x256x64xf32>
    %max3A = arith.constant 0.000000e+00 : f32
    %max3A_16 = vector.broadcast %max3A : f32 to vector<256x256x64xf32>
    %max3A_17 = arith.maximumf %add3A_15, %max3A_16 : vector<256x256x64xf32>
    %reshape3A_18 = vector.shape_cast %max3A_17 : vector<256x256x64xf32> to vector<65536x64xf32>
    %get3A_19 = arith.constant 0 : index
    %get3A_20 = arith.constant 0 : index
    %get3A_21 = vector.load %arg21[%get3A_19, %get3A_20] : memref<64x32xf32, #tpu.memory_space<vmem>>, vector<64x32xf32>
    %dot_general3A = arith.constant dense<0.000000e+00> : vector<65536x32xf32>
    %dot_general3A_22 = tpu.matmul %reshape3A_18, %get3A_21, %dot_general3A {dimension_numbers = #tpu.dot_dimension_numbers<[1], [0], [0], [1], [0, 0, 1, 1], [], []>, transpose_lhs_hint = false} : vector<65536x64xf32>, vector<64x32xf32>, vector<65536x32xf32> -> vector<65536x32xf32>
    %get3A_23 = arith.constant 0 : index
    %get3A_24 = vector.load %arg22[%get3A_23] : memref<32xf32, #tpu.memory_space<vmem>>, vector<32xf32>
    %reshape3A_25 = vector.shape_cast %get3A_24 : vector<32xf32> to vector<1x32xf32>
    %add3A_26 = vector.broadcast %reshape3A_25 : vector<1x32xf32> to vector<65536x32xf32>
    %add3A_27 = arith.addf %dot_general3A_22, %add3A_26 : vector<65536x32xf32>
    %max3A_28 = arith.constant 0.000000e+00 : f32
    %max3A_29 = vector.broadcast %max3A_28 : f32 to vector<65536x32xf32>
    %max3A_30 = arith.maximumf %add3A_27, %max3A_29 : vector<65536x32xf32>
    %reshape3A_31 = vector.shape_cast %max3A_30 : vector<65536x32xf32> to vector<256x256x32xf32>
    %get3A_32 = arith.constant 0 : index
    %get3A_33 = arith.constant 0 : index
    %get3A_34 = vector.load %arg23[%get3A_32, %get3A_33] : memref<32x1xf32, #tpu.memory_space<vmem>>, vector<32x1xf32>
    %reshape3A_35 = vector.shape_cast %get3A_34 : vector<32x1xf32> to vector<1x1x32xf32>
    %mul3A_36 = vector.broadcast %reshape3A_35 : vector<1x1x32xf32> to vector<256x256x32xf32>
    %mul3A_37 = arith.mulf %reshape3A_31, %mul3A_36 : vector<256x256x32xf32>
    %reduce_sum3A = arith.constant dense<0.000000e+00> : vector<256x256xf32>
    %reduce_sum3A_38 = vector.multi_reduction <add>, %mul3A_37, %reduce_sum3A [2] : vector<256x256x32xf32> to vector<256x256xf32>
    %get3A_39 = arith.constant 0 : index
    %get3A_40 = vector.load %arg24[%get3A_39] : memref<1xf32, #tpu.memory_space<vmem>>, vector<1xf32>
    %reshape3A_41 = vector.shape_cast %get3A_40 : vector<1xf32> to vector<1x1xf32>
    %add3A_42 = vector.broadcast %reshape3A_41 : vector<1x1xf32> to vector<256x256xf32>
    %add3A_43 = arith.addf %reduce_sum3A_38, %add3A_42 : vector<256x256xf32>
    %max3A_44 = arith.constant 0.000000e+00 : f32
    %max3A_45 = vector.broadcast %max3A_44 : f32 to vector<256x256xf32>
    %max3A_46 = arith.maximumf %add3A_43, %max3A_45 : vector<256x256xf32>
    %swap3A = arith.constant 0 : index
    %swap3A_47 = arith.constant 0 : index
    %swap3A_48 = vector.load %arg25[%swap3A, %swap3A_47] : memref<256x256xf32, #tpu.memory_space<vmem>>, vector<256x256xf32>
    tpu.vector_store %arg25[%swap3A, %swap3A_47], %max3A_46 {strides = array<i32>} : memref<256x256xf32, #tpu.memory_space<vmem>>, vector<256x256xf32>,
    return
  }
  func.func @transform_0(%arg0: i32) -> (i32, i32) {
    %c0_i32 = arith.constant 0 : i32
    %c0_i32_0 = arith.constant 0 : i32
    %c0_i32_1 = arith.constant 0 : i32
    return %c0_i32, %c0_i32_0 : i32, i32
  }
  func.func @transform_1(%arg0: i32) -> (i32, i32) {
    %c0_i32 = arith.constant 0 : i32
    %c0_i32_0 = arith.constant 0 : i32
    %c0_i32_1 = arith.constant 0 : i32
    return %c0_i32, %c0_i32_0 : i32, i32
  }
  func.func @transform_2(%arg0: i32) -> (i32, i32) {
    %c0_i32 = arith.constant 0 : i32
    %c0_i32_0 = arith.constant 0 : i32
    %c0_i32_1 = arith.constant 0 : i32
    return %c0_i32, %c0_i32_0 : i32, i32
  }
  func.func @transform_3(%arg0: i32) -> (i32, i32) {
    %c0_i32 = arith.constant 0 : i32
    %c0_i32_0 = arith.constant 0 : i32
    %c0_i32_1 = arith.constant 0 : i32
    return %c0_i32, %c0_i32_0 : i32, i32
  }
  func.func @transform_4(%arg0: i32) -> (i32, i32) {
    %c0_i32 = arith.constant 0 : i32
    %c0_i32_0 = arith.constant 0 : i32
    %c0_i32_1 = arith.constant 0 : i32
    return %c0_i32, %c0_i32_0 : i32, i32
  }
  func.func @transform_5(%arg0: i32) -> (i32, i32) {
    %c0_i32 = arith.constant 0 : i32
    %c0_i32_0 = arith.constant 0 : i32
    %c0_i32_1 = arith.constant 0 : i32
    return %c0_i32, %c0_i32_0 : i32, i32
  }
  func.func @transform_6(%arg0: i32) -> (i32, i32) {
    %c0_i32 = arith.constant 0 : i32
    %c0_i32_0 = arith.constant 0 : i32
    %c0_i32_1 = arith.constant 0 : i32
    return %c0_i32, %c0_i32_0 : i32, i32
  }
  func.func @transform_7(%arg0: i32) -> i32 {
    %c0_i32 = arith.constant 0 : i32
    %c0_i32_0 = arith.constant 0 : i32
    return %c0_i32 : i32
  }
  func.func @transform_8(%arg0: i32) -> (i32, i32) {
    %c0_i32 = arith.constant 0 : i32
    %c0_i32_0 = arith.constant 0 : i32
    %c0_i32_1 = arith.constant 0 : i32
    return %c0_i32, %c0_i32_0 : i32, i32
  }
  func.func @transform_9(%arg0: i32) -> i32 {
    %c0_i32 = arith.constant 0 : i32
    %c0_i32_0 = arith.constant 0 : i32
    return %c0_i32 : i32
  }
  func.func @transform_10(%arg0: i32) -> (i32, i32) {
    %c0_i32 = arith.constant 0 : i32
    %c0_i32_0 = arith.constant 0 : i32
    %c0_i32_1 = arith.constant 0 : i32
    return %c0_i32, %c0_i32_0 : i32, i32
  }
  func.func @transform_11(%arg0: i32) -> i32 {
    %c0_i32 = arith.constant 0 : i32
    %c0_i32_0 = arith.constant 0 : i32
    return %c0_i32 : i32
  }
  func.func @transform_12(%arg0: i32) -> (i32, i32) {
    %c0_i32 = arith.constant 0 : i32
    %c0_i32_0 = arith.constant 0 : i32
    %c0_i32_1 = arith.constant 0 : i32
    return %c0_i32, %c0_i32_0 : i32, i32
  }
  func.func @transform_13(%arg0: i32) -> i32 {
    %c0_i32 = arith.constant 0 : i32
    %c0_i32_0 = arith.constant 0 : i32
    return %c0_i32 : i32
  }
  func.func @transform_14(%arg0: i32) -> (i32, i32) {
    %c0_i32 = arith.constant 0 : i32
    %c0_i32_0 = arith.constant 0 : i32
    %c0_i32_1 = arith.constant 0 : i32
    return %c0_i32, %c0_i32_0 : i32, i32
  }
  func.func @transform_15(%arg0: i32) -> i32 {
    %c0_i32 = arith.constant 0 : i32
    %c0_i32_0 = arith.constant 0 : i32
    return %c0_i32 : i32
  }
  func.func @transform_16(%arg0: i32) -> (i32, i32) {
    %c0_i32 = arith.constant 0 : i32
    %c0_i32_0 = arith.constant 0 : i32
    %c0_i32_1 = arith.constant 0 : i32
    return %c0_i32, %c0_i32_0 : i32, i32
  }
  func.func @transform_17(%arg0: i32) -> i32 {
    %c0_i32 = arith.constant 0 : i32
    %c0_i32_0 = arith.constant 0 : i32
    return %c0_i32 : i32
  }
  func.func @transform_18(%arg0: i32) -> (i32, i32) {
    %c0_i32 = arith.constant 0 : i32
    %c0_i32_0 = arith.constant 0 : i32
    %c0_i32_1 = arith.constant 0 : i32
    return %c0_i32, %c0_i32_0 : i32, i32
  }
  func.func @transform_19(%arg0: i32) -> i32 {
    %c0_i32 = arith.constant 0 : i32
    %c0_i32_0 = arith.constant 0 : i32
    return %c0_i32 : i32
  }
  func.func @transform_20(%arg0: i32) -> (i32, i32) {
    %c0_i32 = arith.constant 0 : i32
    %c0_i32_0 = arith.constant 0 : i32
    %c0_i32_1 = arith.constant 0 : i32
    return %c0_i32, %c0_i32_0 : i32, i32
  }
  func.func @transform_21(%arg0: i32) -> i32 {
    %c0_i32 = arith.constant 0 : i32
    %c0_i32_0 = arith.constant 0 : i32
    return %c0_i32 : i32
  }
  func.func @transform_22(%arg0: i32) -> (i32, i32) {
    %c0_i32 = arith.constant 0 : i32
    %c0_i32_0 = arith.constant 0 : i32
    %c0_i32_1 = arith.constant 0 : i32
    return %c0_i32, %c0_i32_0 : i32, i32
  }
  func.func @transform_23(%arg0: i32) -> i32 {
    %c0_i32 = arith.constant 0 : i32
    %c0_i32_0 = arith.constant 0 : i32
    return %c0_i32 : i32
  }
  func.func @transform_24(%arg0: i32) -> (i32, i32) {
    %c0_i32 = arith.constant 0 : i32
    %c0_i32_0 = arith.constant 0 : i32
    return %arg0, %c0_i32 : i32, i32
  }
  func.func @transform_25(%arg0: i32) -> (i32, i32) {
    %c0_i32 = arith.constant 0 : i32
    %c0_i32_0 = arith.constant 0 : i32
    %c0_i32_1 = arith.constant 0 : i32
    return %c0_i32, %c0_i32_0 : i32, i32
  }
  func.func @transform_26(%arg0: i32) -> (i32, i32) {
    %c0_i32 = arith.constant 0 : i32
    %c0_i32_0 = arith.constant 0 : i32
    %c0_i32_1 = arith.constant 0 : i32
    return %c0_i32, %c0_i32_0 : i32, i32
  }
}

</mosaic_0001>

<sc_bundles>
// kernel: kernel.6.cloned.1.call-start
scs
__scs_entry_jumppad:
0x0: {  	(pc) =	sbr.rel $0x88, $3  }
0x1: {  	(tag) =	ssettag $0x0;
	lr =	simm.s32 $0x1  }
0x2: {  	[smem:$0x3F83] =	sst lr;
	_ =	strace $0xD0000000  }
0x3: {  	_ = 	snop  }
0x4: {  	_ = 	snop  }
0x5: {  	_ = 	snop  }
0x6: {  	_ = 	snop  }
0x7: {  	_ = 	snop  }
__scs_overlays_trampoline_lowered:
0x8: {  	[smem:$0x3F92] =	sst s0  }
0x9: {  	[smem:$0x3F93] =	sst s1  }
0xa: {  	[smem:$0x3F94] =	sst s2  }
0xb: {  	[smem:$0x3F95] =	sst s3  }
0xc: {  	[smem:$0x3F96] =	sst s4  }
0xd: {  	[smem:$0x3F97] =	sst s5  }
0xe: {  	[smem:$0x3F98] =	sst s6  }
0xf: {  	[smem:$0x3F99] =	sst s7  }
0x10: {  	[smem:$0x3F9A] =	sst s8  }
0x11: {  	[smem:$0x3F9B] =	sst s9;
	s0 =	simm.s32 @!p0 $0x0  }
0x12: {  	s1 =	sld [smem:$0x3F81];
	s0 =	simm.s32 @p0 $0x1  }
0x13: {  	[smem:$0x3F9C] =	sst s0;
	s0 =	simm.s32 @!p1 $0x0  }
0x14: {  	s2 =	sld [smem:$0x3F80];
	s0 =	simm.s32 @p1 $0x1  }
0x15: {  	[smem:$0x3F9D] =	sst s0;
	s0 =	simm.s32 @!p2 $0x0  }
0x16: {  	s3 =	sld [smem:$0x3FDB];
	s0 =	simm.s32 @p2 $0x1  }
0x17: {  	s4 =	simm.s32 $0x1BF5;
	[smem:$0x3F9F] =	sst s0  }
0x18: {  	s0 =	sld [smem:$0x3F82];
	_ =	swait.ge [sflag:s4], $0x0  }
0x19: {  	s7 =	sld [smem:$0x3F83]  }
0x1a: {  	s8 =	sadd.s32 $0xFFFFE003, lr  }
0x1b: {  	s9 =	sadd.s32 $0xFFFFFEF7, lr;
	s5 =	simm.s32 $0xFFFFFFFF;
	p2 =	slt.u32 s8, $0xFFFFF086  }
0x1c: {  	p1 =	slt.u32 s9, $0xF7A;
	s5 =	simm.s32 @!p2 $0x0  }
0x1d: {  	s5 =	simm.s32 @p1 $0x1;
	p0 =	seq.s32 s7, s2  }
0x1e: {  	s7 =	smul.u32 @!p0 $0xF7A, s2;
	p2 =	seq.s32 @!p0 s5, $0x0  }
0x1f: {  	s9 =	smul.u32 $0xF7A, s1;
	s8 =	simm.s32 @!p0 $0x1BF5;
	p2 =	por !p2, p0  }
0x20: {  	[sflag:s8] =	ssyncset.s32 @!p0 $0xFFFFF086;
	s6 =	sadd.s32 @!p0 s3, s7;
	s7 =	simm.s32 @!p0 $0x108  }
0x21: {  	s3 =	sadd.s32 s3, s9;
	s6 =	sadd.s32 @!p0 $0x88, s6;
	s7 =	simm.s32 @p2 $0x1082  }
0x22: {  	[simem:s7], [sflag:s8] =	dma.local @!p0 [hbm:s6], $0xF7A  }
0x23: {  	s9 =	sor.u32 $0xD0000000, s2;
	s6 =	simm.s32 $0x108;
	_ =	swait.ge @!p0 [sflag:s8], $0x0  }
0x24: {  	s3 =	sadd.s32 $0x88, s3;
	s6 =	simm.s32 @!p1 $0x1082;
	[sflag:s4] =	ssyncset.s32 $0xFFFFF086  }
0x25: {  	[simem:s6], [sflag:s4] =	dma.local [hbm:s3], $0xF7A  }
0x26: {  	[smem:$0x3F83] =	sst s1;
	(tag) =	ssettag s2;
	_ =	strace s9  }
0x27: {  	s1 =	sld [smem:$0x3F93]  }
0x28: {  	s2 =	sld [smem:$0x3F94]  }
0x29: {  	s4 =	sld [smem:$0x3F96]  }
0x2a: {  	p0 =	seq.s32 s5, $0x0;
	s5 =	sld [smem:$0x3F97]  }
0x2b: {  	s6 =	sld [smem:$0x3F98]  }
0x2c: {  	s7 =	sld [smem:$0x3F99]  }
0x2d: {  	s3 =	simm.s32 $0x108;
	s8 =	sld [smem:$0x3F9A]  }
0x2e: {  	s3 =	simm.s32 @!p0 $0x1082;
	s9 =	sld [smem:$0x3F9B]  }
0x2f: {  	lr =	sadd.s32 s0, s3;
	s0 =	sld [smem:$0x3F92]  }
0x30: {  	s3 =	sld [smem:$0x3F95]  }
0x31: {  	[smem:$0x3F9E] =	sst s10  }
0x32: {  	s10 =	sld [smem:$0x3F9C];
	_ =	sdelay $0x3  }
0x33: {  	p0 =	seq.s32 s10, $0x1;
	s10 =	sld [smem:$0x3F9E];
	_ =	sdelay $0x3  }
0x34: {  	[smem:$0x3F9E] =	sst s10  }
0x35: {  	s10 =	sld [smem:$0x3F9D];
	_ =	sdelay $0x3  }
0x36: {  	p1 =	seq.s32 s10, $0x1;
	s10 =	sld [smem:$0x3F9E];
	_ =	sdelay $0x3  }
0x37: {  	[smem:$0x3F9E] =	sst s10  }
0x38: {  	s10 =	sld [smem:$0x3F9F]  }
0x39: {  	_ = 	snop;
	(pc) =	sbr.ind lr, $3  }
0x3a: {  	_ = 	snop  }
0x3b: {  	_ = 	snop  }
0x3c: {  	p2 =	seq.s32 s10, $0x1;
	s10 =	sld [smem:$0x3F9E]  }
0x3d: {  	_ =	shalt  }
0x3e: {  	_ =	shalt  }
0x3f: {  	_ =	shalt  }
0x40: {  	_ =	shalt  }
0x41: {  	_ =	shalt  }
0x42: {  	_ =	shalt  }
0x43: {  	_ =	shalt  }
0x44: {  	_ =	shalt  }
0x45: {  	_ =	shalt  }
0x46: {  	_ =	shalt  }
0x47: {  	_ =	shalt  }
0x48: {  	_ =	shalt  }
0x49: {  	_ =	shalt  }
0x4a: {  	_ =	shalt  }
0x4b: {  	_ =	shalt  }
0x4c: {  	_ =	shalt  }
0x4d: {  	_ =	shalt  }
0x4e: {  	_ =	shalt  }
0x4f: {  	_ =	shalt  }
0x50: {  	_ =	shalt  }
0x51: {  	_ =	shalt  }
0x52: {  	_ =	shalt  }
0x53: {  	_ =	shalt  }
0x54: {  	_ =	shalt  }
0x55: {  	_ =	shalt  }
0x56: {  	_ =	shalt  }
0x57: {  	_ =	shalt  }
0x58: {  	_ =	shalt  }
0x59: {  	_ =	shalt  }
0x5a: {  	_ =	shalt  }
0x5b: {  	_ =	shalt  }
0x5c: {  	_ =	shalt  }
0x5d: {  	_ =	shalt  }
0x5e: {  	_ =	shalt  }
0x5f: {  	_ =	shalt  }
0x60: {  	_ =	shalt  }
0x61: {  	_ =	shalt  }
0x62: {  	_ =	shalt  }
0x63: {  	_ =	shalt  }
0x64: {  	_ =	shalt  }
0x65: {  	_ =	shalt  }
0x66: {  	_ =	shalt  }
0x67: {  	_ =	shalt  }
0x68: {  	_ =	shalt  }
0x69: {  	_ =	shalt  }
0x6a: {  	_ =	shalt  }
0x6b: {  	_ =	shalt  }
0x6c: {  	_ =	shalt  }
0x6d: {  	_ =	shalt  }
0x6e: {  	_ =	shalt  }
0x6f: {  	_ =	shalt  }
0x70: {  	_ =	shalt  }
0x71: {  	_ =	shalt  }
0x72: {  	_ =	shalt  }
0x73: {  	_ =	shalt  }
0x74: {  	_ =	shalt  }
0x75: {  	_ =	shalt  }
0x76: {  	_ =	shalt  }
0x77: {  	_ =	shalt  }
0x78: {  	_ =	shalt  }
0x79: {  	_ =	shalt  }
0x7a: {  	_ =	shalt  }
0x7b: {  	_ =	shalt  }
0x7c: {  	_ =	shalt  }
0x7d: {  	_ =	shalt  }
0x7e: {  	_ =	shalt  }
0x7f: {  	_ =	shalt  }
0x80: {  	_ =	shalt  }
0x81: {  	_ =	shalt  }
0x82: {  	_ =	shalt  }
0x83: {  	_ =	shalt  }
0x84: {  	_ =	shalt  }
0x85: {  	_ =	shalt  }
0x86: {  	_ =	shalt  }
0x87: {  	_ =	shalt  }
.Lfunc_end0:
.L_simem_size_0:
called_computation_lowered:
.L_overlay_start_0:
0x88: {  	s2 =	sld [smem:$0x3FD9]  }
0x89: {  	s3 =	sld [smem:$0x3FFE];
	_ =	sdelay $0x1  }
0x8a: {  	s1 =	srdreg.scid  }
0x8b: {  	s0 =	sand.u32 $0x1, s1  }
0x8c: {  	s14 =	sshll.u32 s0, $0xA;
	s2 =	sadd.s32 s3, s2  }
0x8d: {  	s2 =	sadd.s32 s2, s14  }
0x8e: {  	[smem:$0x3FAA] =	sst s2  }
0x8f: {  	_ = 	snop  }
0x90: {  	s2 =	sld [smem:$0x3FD0]  }
0x91: {  	s15 =	sld [smem:$0x3FC9]  }
0x92: {  	s4 =	sld [smem:$0x3FC8]  }
0x93: {  	s6 =	simm.s32 $0xB;
	s7 =	simm.s32 $0x10;
	s5 =	sld [smem:$0x3FC7]  }
0x94: {  	[smem:s7], [sflag:s6] =	dma.local [hbm:s2], $0x1  }
0x95: {  	_ =	swait.eq [sflag:s6], $0x1  }
0x96: {  	[sflag:s6] =	ssyncset.done $0x0  }
0x97: {  	s16 =	sld [smem:$0x11];
	[sflag:s6] =	ssyncadd.s32 $0xFFFFFFFF  }
0x98: {  	s17 =	sld [smem:$0x12];
	(tm) =	ssettm $0x1  }
0x99: {  	s18 =	sld [smem:$0x3FFB];
	_ =	sdelay $0x3  }
0x9a: {  	_ =	strace s18  }
0x9b: {  	s7 =	sld [smem:$0x3FFC];
	_ =	sdelay $0x3  }
0x9c: {  	_ =	strace s7  }
0x9d: {  	s7 =	sld [smem:$0x3FFD];
	_ =	sdelay $0x3  }
0x9e: {  	_ =	strace s7  }
0x9f: {  	_ =	strace $0x8FFFFFFF  }
0xa0: {  	s19 =	sld [smem:$0x3FDB];
	_ =	sdelay $0x1  }
0xa1: {  	s8 =	simm.s32 $_scs_section_size  }
0xa2: {  	s9 =	simm.s32 $_size__tile_overlayer_lowered;
	s10 =	simm.s32 $_tile_overlayer_lowered  }
0xa3: {  	s22 =	simm.s32 $0x1BFF;
	s21 =	sshll.u32 s10, $0x1;
	s7 =	sadd.s32 s8, s19  }
0xa4: {  	s11 =	simm.s32 $0x0;
	s20 =	sshll.u32 s9, $0x1;
	s9 =	sadd.s32 s21, s7  }
0xa5: {  	[timem:s11], [sflag:s22] =	dma.local [hbm:s9], s20  }
0xa6: {  	_ =	swait.ge [sflag:s22], s20  }
0xa7: {  	s8 =	ssub.s32 $0x0, s20;
	[sflag:s22] =	ssyncset.done $0x0  }
0xa8: {  	[sflag:s22] =	ssyncadd.s32 s8;
	_ =	sdelay $0x1  }
0xa9: {  	s23 =	simm.s32 $0x1B8B  }
0xaa: {  	_ =	swait.ge [sflag:s23], $0x1  }
0xab: {  	[sflag:s23] =	ssyncset.done $0x0  }
0xac: {  	s25 =	simm.s32 $0x1B8E;
	s24 =	sld [smem:$0x3FFE];
	[sflag:s23] =	ssyncadd.s32 $0xFFFFFFFF  }
0xad: {  	s26 =	simm.s32 $execute0_lowered;
	[smem:$0x3FD2] =	sst s25  }
0xae: {  	s9 =	sshll.u32 s26, $0x1;
	_ =	strace $0x80000046;
	[dreg:$0x1] =	wrdreg $0xFFFFFFFF  }
0xaf: {  	s28 =	simm.s32 $_size_execute0_lowered;
	s7 =	sadd.s32 s7, s9;
	[dreg:$0x0] =	wrdreg $0x0  }
0xb0: {  	s9 =	sshll.u32 s28, $0x1;
	[dreg:$0x2] =	wrdreg s7  }
0xb1: {  	[dreg:$0x3] =	wrdreg s9  }
0xb2: {  	[dreg:$0x4] =	wrdreg $0xC0  }
0xb3: {  	_ =	task [dreg:s11], $0x5FFFF  }
0xb4: {  	[dreg:$0x1] =	wrdreg $0xFFFFFFFF  }
0xb5: {  	[dreg:$0x0] =	wrdreg $0x60  }
0xb6: {  	[dreg:$0x2] =	wrdreg s15  }
0xb7: {  	[dreg:$0x3] =	wrdreg s4  }
0xb8: {  	[dreg:$0x4] =	wrdreg s5  }
0xb9: {  	[dreg:$0x5] =	wrdreg s24  }
0xba: {  	[dreg:$0x6] =	wrdreg s17  }
0xbb: {  	[dreg:$0x7] =	wrdreg s16  }
0xbc: {  	[dreg:$0x8] =	wrdreg $0x9  }
0xbd: {  	_ =	task.clear_ibuf [dreg:s11], $0x9FFFF;
	_ =	strace $0x90000046  }
0xbe: {  	s29 =	simm.s32 $0x9;
	_ =	strace $0x80000048  }
0xbf: {  	_ =	swait.ge [sflag:s29], $0x1  }
0xc0: {  	[sflag:s29] =	ssyncadd.s32 $0xFFFFFFFF  }
0xc1: {  	_ =	strace $0x90000048  }
0xc2: {  	_ =	sfence  }
0xc3: {  	s30 =	sld [smem:$0x0];
	_ =	sdelay $0x2  }
0xc4: {  	s31 =	sshll.u32 s1, $0xD;
	s1 =	sshrl.u32 s1, $0x2  }
0xc5: {  	s3 =	sand.u32 $0x4000, s31;
	s1 =	sadd.s32 s1, s30  }
0xc6: {  	s0 =	sor.u32 s3, s0;
	s1 =	sshll.u32 s1, $0x11  }
0xc7: {  	s0 =	sor.u32 s1, s0  }
0xc8: {  	s0 =	sadd.s32 $0x8F2B, s0  }
0xc9: {  	[sflag:s0] =	ssyncadd.remote.s32 $0x1  }
0xca: {  	_ =	sfence.sel $0xFFFF  }
0xcb: {  	[dreg:$0x0] =	wrdreg $0xFFFFFFFF;
	(pc) =	sbr.abs _section_cstart, $3  }
0xcc: {  	[dreg:$0x1] =	wrdreg $0xFFFFFFFF  }
0xcd: {  	_ =	task.clear_ibuf [dreg:s11], $0x2FFFF;
	_ =	strace $0x9FFFFFFF  }
0xce: {  	(tm) =	ssettm $0x7FFFFFFF  }
0xcf: {  	_ =	shalt  }
tec
execute0_lowered:
.L_overlay_start_1:
0x0: {  	(tag) =	ssettag $0x1  }
0x1: {  	s5 =	rddreg [dreg:$0x0]  }
0x2: {  	s13 =	rddreg [dreg:$0x1]  }
0x3: {  	s19 =	rddreg [dreg:$0x2];
	v0 =	vimm.s32 $0x7FF;
	vm0 =	vcmask $0x300  }
0x4: {  	s12 =	rddreg [dreg:$0x3];
	vm10 =	vcmask $0x704;
	v0 =	vsel vm0, $0xFF, v0  }
0x5: {  	s1 =	rddreg [dreg:$0x4];
	vm11 =	vcmask $0xB08;
	v0 =	vsel vm10, $0x1FF, v0  }
0x6: {  	s2 =	srdreg.scid;
	s0 =	stileid.u32;
	vm12 =	vcmask $0xF0C;
	v0 =	vsel vm11, $0x2FF, v0  }
0x7: {  	s3 =	rddreg [dreg:$0x5];
	vm13 =	vcmask $0x1310;
	s20 =	sand.u32 $0x1, s2;
	s6 =	sshll.u32 s0, $0x1;
	v0 =	vsel vm12, $0x3FF, v0  }
0x8: {  	s4 =	simm.s32 $0x0;
	vm14 =	vcmask $0x1714;
	s2 =	rddreg [dreg:$0x6];
	s21 =	sor.u32 s20, s6;
	v0 =	vsel vm13, $0x4FF, v0  }
0x9: {  	vm15 =	vcmask $0x1B18;
	[smem:$0x7FF] =	sst s4;
	s6 =	sshll.u32 s21, $0x8;
	v0 =	vsel vm14, $0x5FF, v0  }
0xa: {  	_ =	strace $0x80000047;
	s6 =	sadd.s32 s5, s6;
	s5 =	simm.s32 $0x3;
	v0 =	vsel vm15, $0x6FF, v0  }
0xb: {  	[tilespmem:s4], [sflag:$0x3] =	stream.linear.gather [hbm4b:s6+s4], $0x800, $0x38;
	[tilespmem:$0xE18] =	vst v63  }
0xc: {  	_ =	swait.ge [sflag:s5], $0x800  }
0xd: {  	[sflag:s5] =	ssyncset.done $0x0  }
0xe: {  	[sflag:s5] =	ssyncadd.s32 $0xFFFFF800  }
0xf: {  	v1 =	vld.idx.msk [tilespmem:v0+s4+$0x0], $0xffff;
	_ =	sdelay $0x3  }
0x10: {  	s8 =	simm.s32 $0x10;
	s9 =	simm.s32 $0x800  }
0x11: {  	s10 =	simm.s32 $0x810;
	s11 =	simm.s32 $0x2;
	s7 =	sadd.s32 $0x104200, s12;
	[tilespmem:$0x800] =	vst v1  }
0x12: {  	[tilespmem:s10], [sflag:$0x2] =	stream.indirect.gather [hbm4b:s7+s8], $0x40, s9, s8, $0xb8;
	[tilespmem:$0xE18] =	vst v63  }
0x13: {  	s14 =	sshll.u32 s21, $0x6;
	_ =	swait.ge [sflag:s11], $0x400  }
0x14: {  	s22 =	sadd.s32 s14, s12;
	[sflag:s11] =	ssyncset.done $0x0  }
0x15: {  	s12 =	sadd.s32 $0x184200, s22;
	[sflag:s11] =	ssyncadd.s32 $0xFFFFFC00  }
0x16: {  	[hbm4b:s12+s4] =	stream.linear.scatter [tilespmem:s10], [sflag:$0x3], $0x200, $0x38;
	[tilespmem:$0xE18] =	vst v63  }
0x17: {  	_ =	swait.ge [sflag:s5], $0x200  }
0x18: {  	[sflag:s5] =	ssyncset.done $0x0  }
0x19: {  	s13 =	sadd.s32 s13, s21;
	s14 =	simm.s32 $0xC10;
	[sflag:s5] =	ssyncadd.s32 $0xFFFFFE00  }
0x1a: {  	[tilespmem:s14], [sflag:$0x3] =	stream.linear.gather [hbm4b:s13+s4], $0x8, $0x38;
	[tilespmem:$0xE18] =	vst v63  }
0x1b: {  	_ =	swait.ge [sflag:s5], $0x8  }
0x1c: {  	s15 =	simm.s32 $0x8;
	[sflag:s5] =	ssyncset.done $0x0  }
0x1d: {  	s16 =	simm.s32 $0xC18;
	s17 =	simm.s32 $0x1;
	[sflag:s5] =	ssyncadd.s32 $0xFFFFFFF8  }
0x1e: {  	[tilespmem:s16], [sflag:$0x1] =	stream.indirect.gather [hbm4b:s1+s15], $0x40, s14, s15, $0xb8;
	[tilespmem:$0xE18] =	vst v63  }
0x1f: {  	_ =	swait.ge [sflag:s17], $0x200  }
0x20: {  	[sflag:s17] =	ssyncset.done $0x0  }
0x21: {  	s18 =	sadd.s32 $0x184A00, s22;
	[sflag:s17] =	ssyncadd.s32 $0xFFFFFE00  }
0x22: {  	[hbm4b:s18+s4] =	stream.linear.scatter [tilespmem:s16], [sflag:$0x3], $0x200, $0x38;
	[tilespmem:$0xE18] =	vst v63  }
0x23: {  	_ =	swait.ge [sflag:s5], $0x200  }
0x24: {  	[sflag:s5] =	ssyncset.done $0x0  }
0x25: {  	s20 =	ssub.s32 $0x2, s20;
	s19 =	sadd.s32 s19, s21;
	[sflag:s5] =	ssyncadd.s32 $0xFFFFFE00  }
0x26: {  	[tilespmem:s14], [sflag:$0x3] =	stream.linear.gather [hbm4b:s19+s4], $0x8, $0x38;
	[tilespmem:$0xE18] =	vst v63  }
0x27: {  	s31 =	sshrl.u32 s20, $0x1;
	_ =	swait.ge [sflag:s5], $0x8  }
0x28: {  	s21 =	ssub.s32 s20, s31;
	[sflag:s5] =	ssyncset.done $0x0  }
0x29: {  	s21 =	smax.u32 s21, $0x1;
	[sflag:s5] =	ssyncadd.s32 $0xFFFFFFF8  }
0x2a: {  	[tilespmem:s16], [sflag:$0x1] =	stream.indirect.gather [hbm4b:s3+s15], $0x40, s14, s15, $0xb8;
	[tilespmem:$0xE18] =	vst v63  }
0x2b: {  	p0 =	sne.s32 s21, $0x1;
	_ =	swait.ge [sflag:s17], $0x200  }
.Ltmp0:
0x2c: {  	[sflag:s17] =	ssyncset.done $0x0;
	(pc) =	sbr.rel @!p0 .LBB2_2-.Ltmp0, $4  }
0x2d: {  	s20 =	sadd.s32 $0x185200, s22;
	[sflag:s17] =	ssyncadd.s32 $0xFFFFFE00  }
0x2e: {  	[hbm4b:s20+s4] =	stream.linear.scatter [tilespmem:s16], [sflag:$0x3], $0x200, $0x38;
	[tilespmem:$0xE18] =	vst v63  }
0x2f: {  	_ =	swait.ge [sflag:s5], $0x200  }
0x30: {  	s21 =	sadd.s32 $0xFFFFFFFF, s21;
	[sflag:s5] =	ssyncset.done $0x0  }
.LBB2_1:
0x31: {  	p0 =	sne.s32 s21, $0x1;
	s21 =	sadd.s32 $0xFFFFFFFF, s21;
	[sflag:s5] =	ssyncadd.s32 $0xFFFFFE00  }
0x32: {  	[tilespmem:s4], [sflag:$0x3] =	stream.linear.gather [hbm4b:s6+s4], $0x800, $0x38;
	[tilespmem:$0xE18] =	vst v63  }
0x33: {  	_ =	swait.ge [sflag:s5], $0x800  }
0x34: {  	[sflag:s5] =	ssyncset.done $0x0  }
0x35: {  	[sflag:s5] =	ssyncadd.s32 $0xFFFFF800  }
0x36: {  	v1 =	vld.idx.msk [tilespmem:v0+s4+$0x0], $0xffff;
	_ =	sdelay $0x5  }
0x37: {  	[tilespmem:$0x800] =	vst v1  }
0x38: {  	[tilespmem:s10], [sflag:$0x2] =	stream.indirect.gather [hbm4b:s7+s8], $0x40, s9, s8, $0xb8;
	[tilespmem:$0xE18] =	vst v63  }
0x39: {  	_ =	swait.ge [sflag:s11], $0x400  }
0x3a: {  	[sflag:s11] =	ssyncset.done $0x0  }
0x3b: {  	[sflag:s11] =	ssyncadd.s32 $0xFFFFFC00  }
0x3c: {  	[hbm4b:s12+s4] =	stream.linear.scatter [tilespmem:s10], [sflag:$0x3], $0x200, $0x38;
	[tilespmem:$0xE18] =	vst v63  }
0x3d: {  	_ =	swait.ge [sflag:s5], $0x200  }
0x3e: {  	[sflag:s5] =	ssyncset.done $0x0  }
0x3f: {  	[sflag:s5] =	ssyncadd.s32 $0xFFFFFE00  }
0x40: {  	[tilespmem:s14], [sflag:$0x3] =	stream.linear.gather [hbm4b:s13+s4], $0x8, $0x38;
	[tilespmem:$0xE18] =	vst v63  }
0x41: {  	_ =	swait.ge [sflag:s5], $0x8  }
0x42: {  	[sflag:s5] =	ssyncset.done $0x0  }
0x43: {  	[sflag:s5] =	ssyncadd.s32 $0xFFFFFFF8  }
0x44: {  	[tilespmem:s16], [sflag:$0x1] =	stream.indirect.gather [hbm4b:s1+s15], $0x40, s14, s15, $0xb8;
	[tilespmem:$0xE18] =	vst v63  }
0x45: {  	_ =	swait.ge [sflag:s17], $0x200  }
0x46: {  	[sflag:s17] =	ssyncset.done $0x0  }
0x47: {  	[sflag:s17] =	ssyncadd.s32 $0xFFFFFE00  }
0x48: {  	[hbm4b:s18+s4] =	stream.linear.scatter [tilespmem:s16], [sflag:$0x3], $0x200, $0x38;
	[tilespmem:$0xE18] =	vst v63  }
0x49: {  	_ =	swait.ge [sflag:s5], $0x200  }
0x4a: {  	[sflag:s5] =	ssyncset.done $0x0  }
0x4b: {  	[sflag:s5] =	ssyncadd.s32 $0xFFFFFE00  }
0x4c: {  	[tilespmem:s14], [sflag:$0x3] =	stream.linear.gather [hbm4b:s19+s4], $0x8, $0x38;
	[tilespmem:$0xE18] =	vst v63  }
0x4d: {  	_ =	swait.ge [sflag:s5], $0x8  }
0x4e: {  	[sflag:s5] =	ssyncset.done $0x0  }
0x4f: {  	[sflag:s5] =	ssyncadd.s32 $0xFFFFFFF8  }
0x50: {  	[tilespmem:s16], [sflag:$0x1] =	stream.indirect.gather [hbm4b:s3+s15], $0x40, s14, s15, $0xb8;
	[tilespmem:$0xE18] =	vst v63  }
0x51: {  	_ =	swait.ge [sflag:s17], $0x200  }
.Ltmp1:
0x52: {  	[sflag:s17] =	ssyncset.done $0x0;
	(pc) =	sbr.rel @p0 .LBB2_1-.Ltmp1, $4  }
0x53: {  	[sflag:s17] =	ssyncadd.s32 $0xFFFFFE00  }
0x54: {  	[hbm4b:s20+s4] =	stream.linear.scatter [tilespmem:s16], [sflag:$0x3], $0x200, $0x38;
	[tilespmem:$0xE18] =	vst v63  }
0x55: {  	_ =	swait.ge [sflag:s5], $0x200  }
0x56: {  	[sflag:s5] =	ssyncset.done $0x0  }
.LBB2_2:
0x57: {  	[sflag:s5] =	ssyncadd.s32 $0xFFFFFE00  }
0x58: {  	_ =	sfence.sel $0x180000  }
0x59: {  	[bflag:$0x0] =	sbarrier.arrive $0xFFFF  }
0x5a: {  	p0 =	sne.s32 s0, $0x0;
	_ =	strace $0x90000047  }
0x5b: {  	s0 =	sadd.s32 @!p0 $0x100000, s2;
	[bflag:$0x2] =	sbarrier.arrive $0xFFFF  }
0x5c: {  	[sflag:s0] =	ssyncadd.tile.s32 @!p0 $0x1;
	_ =	shalt  }
.Lfunc_end2:
_tile_overlayer_lowered:
.L_overlay_start_2:
0x5d: {  	(tag) =	ssettag $0x2  }
0x5e: {  	s0 =	rddreg [dreg:$0x0];
	s2 =	stileid.u32  }
0x5f: {  	s1 =	rddreg [dreg:$0x1];
	p0 =	sne.s32 s2, $0x0  }
0x60: {  	s3 =	rddreg [dreg:$0x2];
	[bflag:$0x3] =	sbarrier.arrive $0xFFFF;
	s2 =	simm.s32 @!p0 $0x1C03  }
0x61: {  	[timem:s3], [sflag:s2] =	dma.local @!p0 [hbm:s0], s1  }
0x62: {  	s0 =	simm.s32 @!p0 $0x3  }
0x63: {  	_ =	swait.ge @!p0 [sflag:s0], s1  }
0x64: {  	s1 =	ssub.s32 @!p0 $0x0, s1;
	[sflag:s0] =	ssyncset.done @!p0 $0x0  }
0x65: {  	[sflag:s0] =	ssyncadd.s32 @!p0 s1  }
0x66: {  	[bflag:$0x3] =	sbarrier.arrive $0xFFFF  }
0x67: {  	_ =	shalt  }

// kernel: kernel.9.cloned.1.call-start
scs
__scs_entry_jumppad:
0x0: {  	(pc) =	sbr.rel $0x88, $3  }
0x1: {  	(tag) =	ssettag $0x0;
	lr =	simm.s32 $0x1  }
0x2: {  	[smem:$0x3F83] =	sst lr;
	_ =	strace $0xD0000000  }
0x3: {  	_ = 	snop  }
0x4: {  	_ = 	snop  }
0x5: {  	_ = 	snop  }
0x6: {  	_ = 	snop  }
0x7: {  	_ = 	snop  }
__scs_overlays_trampoline_lowered:
0x8: {  	[smem:$0x3F92] =	sst s0  }
0x9: {  	[smem:$0x3F93] =	sst s1  }
0xa: {  	[smem:$0x3F94] =	sst s2  }
0xb: {  	[smem:$0x3F95] =	sst s3  }
0xc: {  	[smem:$0x3F96] =	sst s4  }
0xd: {  	[smem:$0x3F97] =	sst s5  }
0xe: {  	[smem:$0x3F98] =	sst s6  }
0xf: {  	[smem:$0x3F99] =	sst s7  }
0x10: {  	[smem:$0x3F9A] =	sst s8  }
0x11: {  	[smem:$0x3F9B] =	sst s9;
	s0 =	simm.s32 @!p0 $0x0  }
0x12: {  	s1 =	sld [smem:$0x3F81];
	s0 =	simm.s32 @p0 $0x1  }
0x13: {  	[smem:$0x3F9C] =	sst s0;
	s0 =	simm.s32 @!p1 $0x0  }
0x14: {  	s2 =	sld [smem:$0x3F80];
	s0 =	simm.s32 @p1 $0x1  }
0x15: {  	[smem:$0x3F9D] =	sst s0;
	s0 =	simm.s32 @!p2 $0x0  }
0x16: {  	s3 =	sld [smem:$0x3FDB];
	s0 =	simm.s32 @p2 $0x1  }
0x17: {  	s4 =	simm.s32 $0x1BF5;
	[smem:$0x3F9F] =	sst s0  }
0x18: {  	s0 =	sld [smem:$0x3F82];
	_ =	swait.ge [sflag:s4], $0x0  }
0x19: {  	s7 =	sld [smem:$0x3F83]  }
0x1a: {  	s8 =	sadd.s32 $0xFFFFE003, lr  }
0x1b: {  	s9 =	sadd.s32 $0xFFFFFEF7, lr;
	s5 =	simm.s32 $0xFFFFFFFF;
	p2 =	slt.u32 s8, $0xFFFFF086  }
0x1c: {  	p1 =	slt.u32 s9, $0xF7A;
	s5 =	simm.s32 @!p2 $0x0  }
0x1d: {  	s5 =	simm.s32 @p1 $0x1;
	p0 =	seq.s32 s7, s2  }
0x1e: {  	s7 =	smul.u32 @!p0 $0xF7A, s2;
	p2 =	seq.s32 @!p0 s5, $0x0  }
0x1f: {  	s9 =	smul.u32 $0xF7A, s1;
	s8 =	simm.s32 @!p0 $0x1BF5;
	p2 =	por !p2, p0  }
0x20: {  	[sflag:s8] =	ssyncset.s32 @!p0 $0xFFFFF086;
	s6 =	sadd.s32 @!p0 s3, s7;
	s7 =	simm.s32 @!p0 $0x108  }
0x21: {  	s3 =	sadd.s32 s3, s9;
	s6 =	sadd.s32 @!p0 $0x88, s6;
	s7 =	simm.s32 @p2 $0x1082  }
0x22: {  	[simem:s7], [sflag:s8] =	dma.local @!p0 [hbm:s6], $0xF7A  }
0x23: {  	s9 =	sor.u32 $0xD0000000, s2;
	s6 =	simm.s32 $0x108;
	_ =	swait.ge @!p0 [sflag:s8], $0x0  }
0x24: {  	s3 =	sadd.s32 $0x88, s3;
	s6 =	simm.s32 @!p1 $0x1082;
	[sflag:s4] =	ssyncset.s32 $0xFFFFF086  }
0x25: {  	[simem:s6], [sflag:s4] =	dma.local [hbm:s3], $0xF7A  }
0x26: {  	[smem:$0x3F83] =	sst s1;
	(tag) =	ssettag s2;
	_ =	strace s9  }
0x27: {  	s1 =	sld [smem:$0x3F93]  }
0x28: {  	s2 =	sld [smem:$0x3F94]  }
0x29: {  	s4 =	sld [smem:$0x3F96]  }
0x2a: {  	p0 =	seq.s32 s5, $0x0;
	s5 =	sld [smem:$0x3F97]  }
0x2b: {  	s6 =	sld [smem:$0x3F98]  }
0x2c: {  	s7 =	sld [smem:$0x3F99]  }
0x2d: {  	s3 =	simm.s32 $0x108;
	s8 =	sld [smem:$0x3F9A]  }
0x2e: {  	s3 =	simm.s32 @!p0 $0x1082;
	s9 =	sld [smem:$0x3F9B]  }
0x2f: {  	lr =	sadd.s32 s0, s3;
	s0 =	sld [smem:$0x3F92]  }
0x30: {  	s3 =	sld [smem:$0x3F95]  }
0x31: {  	[smem:$0x3F9E] =	sst s10  }
0x32: {  	s10 =	sld [smem:$0x3F9C];
	_ =	sdelay $0x3  }
0x33: {  	p0 =	seq.s32 s10, $0x1;
	s10 =	sld [smem:$0x3F9E];
	_ =	sdelay $0x3  }
0x34: {  	[smem:$0x3F9E] =	sst s10  }
0x35: {  	s10 =	sld [smem:$0x3F9D];
	_ =	sdelay $0x3  }
0x36: {  	p1 =	seq.s32 s10, $0x1;
	s10 =	sld [smem:$0x3F9E];
	_ =	sdelay $0x3  }
0x37: {  	[smem:$0x3F9E] =	sst s10  }
0x38: {  	s10 =	sld [smem:$0x3F9F]  }
0x39: {  	_ = 	snop;
	(pc) =	sbr.ind lr, $3  }
0x3a: {  	_ = 	snop  }
0x3b: {  	_ = 	snop  }
0x3c: {  	p2 =	seq.s32 s10, $0x1;
	s10 =	sld [smem:$0x3F9E]  }
0x3d: {  	_ =	shalt  }
0x3e: {  	_ =	shalt  }
0x3f: {  	_ =	shalt  }
0x40: {  	_ =	shalt  }
0x41: {  	_ =	shalt  }
0x42: {  	_ =	shalt  }
0x43: {  	_ =	shalt  }
0x44: {  	_ =	shalt  }
0x45: {  	_ =	shalt  }
0x46: {  	_ =	shalt  }
0x47: {  	_ =	shalt  }
0x48: {  	_ =	shalt  }
0x49: {  	_ =	shalt  }
0x4a: {  	_ =	shalt  }
0x4b: {  	_ =	shalt  }
0x4c: {  	_ =	shalt  }
0x4d: {  	_ =	shalt  }
0x4e: {  	_ =	shalt  }
0x4f: {  	_ =	shalt  }
0x50: {  	_ =	shalt  }
0x51: {  	_ =	shalt  }
0x52: {  	_ =	shalt  }
0x53: {  	_ =	shalt  }
0x54: {  	_ =	shalt  }
0x55: {  	_ =	shalt  }
0x56: {  	_ =	shalt  }
0x57: {  	_ =	shalt  }
0x58: {  	_ =	shalt  }
0x59: {  	_ =	shalt  }
0x5a: {  	_ =	shalt  }
0x5b: {  	_ =	shalt  }
0x5c: {  	_ =	shalt  }
0x5d: {  	_ =	shalt  }
0x5e: {  	_ =	shalt  }
0x5f: {  	_ =	shalt  }
0x60: {  	_ =	shalt  }
0x61: {  	_ =	shalt  }
0x62: {  	_ =	shalt  }
0x63: {  	_ =	shalt  }
0x64: {  	_ =	shalt  }
0x65: {  	_ =	shalt  }
0x66: {  	_ =	shalt  }
0x67: {  	_ =	shalt  }
0x68: {  	_ =	shalt  }
0x69: {  	_ =	shalt  }
0x6a: {  	_ =	shalt  }
0x6b: {  	_ =	shalt  }
0x6c: {  	_ =	shalt  }
0x6d: {  	_ =	shalt  }
0x6e: {  	_ =	shalt  }
0x6f: {  	_ =	shalt  }
0x70: {  	_ =	shalt  }
0x71: {  	_ =	shalt  }
0x72: {  	_ =	shalt  }
0x73: {  	_ =	shalt  }
0x74: {  	_ =	shalt  }
0x75: {  	_ =	shalt  }
0x76: {  	_ =	shalt  }
0x77: {  	_ =	shalt  }
0x78: {  	_ =	shalt  }
0x79: {  	_ =	shalt  }
0x7a: {  	_ =	shalt  }
0x7b: {  	_ =	shalt  }
0x7c: {  	_ =	shalt  }
0x7d: {  	_ =	shalt  }
0x7e: {  	_ =	shalt  }
0x7f: {  	_ =	shalt  }
0x80: {  	_ =	shalt  }
0x81: {  	_ =	shalt  }
0x82: {  	_ =	shalt  }
0x83: {  	_ =	shalt  }
0x84: {  	_ =	shalt  }
0x85: {  	_ =	shalt  }
0x86: {  	_ =	shalt  }
0x87: {  	_ =	shalt  }
.Lfunc_end0:
.L_simem_size_0:
called_computation.1_lowered:
.L_overlay_start_0:
0x88: {  	s2 =	sld [smem:$0x3FD9]  }
0x89: {  	s3 =	sld [smem:$0x3FFE];
	_ =	sdelay $0x1  }
0x8a: {  	s1 =	srdreg.scid  }
0x8b: {  	s0 =	sand.u32 $0x1, s1  }
0x8c: {  	s15 =	sshll.u32 s0, $0xA;
	s2 =	sadd.s32 s3, s2  }
0x8d: {  	s2 =	sadd.s32 s2, s15  }
0x8e: {  	[smem:$0x3FAA] =	sst s2  }
0x8f: {  	_ = 	snop  }
0x90: {  	s16 =	sld [smem:$0x3FD0];
	_ =	sdelay $0x2  }
0x91: {  	s4 =	simm.s32 $0xB;
	s5 =	simm.s32 $0x10;
	s2 =	sld [smem:$0x3FC9]  }
0x92: {  	[smem:s5], [sflag:s4] =	dma.local [hbm:s16], $0x1  }
0x93: {  	_ =	swait.eq [sflag:s4], $0x1  }
0x94: {  	[sflag:s4] =	ssyncset.done $0x0  }
0x95: {  	[sflag:s4] =	ssyncadd.s32 $0xFFFFFFFF  }
0x96: {  	s17 =	sld [smem:$0x10];
	(tm) =	ssettm $0x1  }
0x97: {  	s18 =	sld [smem:$0x3FFB];
	_ =	sdelay $0x3  }
0x98: {  	_ =	strace s18  }
0x99: {  	s3 =	sld [smem:$0x3FFC];
	_ =	sdelay $0x3  }
0x9a: {  	_ =	strace s3  }
0x9b: {  	s3 =	sld [smem:$0x3FFD];
	_ =	sdelay $0x3  }
0x9c: {  	_ =	strace s3  }
0x9d: {  	_ =	strace $0x8FFFFFFF  }
0x9e: {  	s19 =	sld [smem:$0x3FDB];
	_ =	sdelay $0x1  }
0x9f: {  	s20 =	simm.s32 $_scs_section_size  }
0xa0: {  	s6 =	simm.s32 $_size__tile_overlayer_lowered;
	s7 =	simm.s32 $_tile_overlayer_lowered  }
0xa1: {  	s8 =	simm.s32 $0x1BFF;
	s21 =	sshll.u32 s7, $0x1;
	s5 =	sadd.s32 s20, s19  }
0xa2: {  	s22 =	simm.s32 $0x0;
	s6 =	sshll.u32 s6, $0x1;
	s7 =	sadd.s32 s21, s5  }
0xa3: {  	[timem:s22], [sflag:s8] =	dma.local [hbm:s7], s6  }
0xa4: {  	_ =	swait.ge [sflag:s8], s6  }
0xa5: {  	s6 =	ssub.s32 $0x0, s6;
	[sflag:s8] =	ssyncset.done $0x0  }
0xa6: {  	[sflag:s8] =	ssyncadd.s32 s6;
	_ =	sdelay $0x1  }
0xa7: {  	s23 =	simm.s32 $0x1B8B  }
0xa8: {  	_ =	swait.ge [sflag:s23], $0x1  }
0xa9: {  	[sflag:s23] =	ssyncset.done $0x0  }
0xaa: {  	[sflag:s23] =	ssyncadd.s32 $0xFFFFFFFF  }
0xab: {  	s6 =	sld [smem:$0x0]  }
0xac: {  	s7 =	sand.u32 $0xFFFFFFFE, s1  }
0xad: {  	p0 =	sne.s32 s1, s7  }
0xae: {  	s7 =	sshll.u32 @p0 s7, $0xE  }
0xaf: {  	s7 =	sadd.s32 @p0 $0x11B8D, s7;
	s8 =	sshll.u32 @p0 s6, $0x11  }
0xb0: {  	s7 =	sor.u32 @p0 s8, s7  }
0xb1: {  	[sflag:s7] =	ssyncadd.remote.s32 @p0 $0x1;
	_ =	sdelay $0x1  }
0xb2: {  	s7 =	simm.s32 @p0 $0x1B8D  }
0xb3: {  	_ =	swait.eq @p0 [sflag:s7], $0x1  }
0xb4: {  	[sflag:s7] =	ssyncadd.s32 @p0 $0xFFFFFFFF  }
0xb5: {  	s8 =	sshll.u32 @!p0 s1, $0xE  }
0xb6: {  	s8 =	sor.u32 @!p0 $0x4000, s8;
	s7 =	simm.s32 @!p0 $0x1B8D  }
0xb7: {  	s6 =	sshll.u32 @!p0 s6, $0x11;
	s8 =	sadd.s32 @!p0 $0x11B8D, s8;
	_ =	swait.eq @!p0 [sflag:s7], $0x1  }
0xb8: {  	s6 =	sor.u32 @!p0 s6, s8;
	[sflag:s7] =	ssyncadd.s32 @!p0 $0xFFFFFFFF  }
0xb9: {  	s25 =	simm.s32 $0x1B8E;
	s24 =	sld [smem:$0x3FFE];
	[sflag:s6] =	ssyncadd.remote.s32 @!p0 $0x1  }
0xba: {  	s26 =	simm.s32 $execute0_lowered;
	[smem:$0x3FD2] =	sst s25  }
0xbb: {  	s7 =	sshll.u32 s26, $0x1;
	_ =	strace $0x80000049;
	[dreg:$0x1] =	wrdreg $0xFFFFFFFF  }
0xbc: {  	s28 =	simm.s32 $_size_execute0_lowered;
	s5 =	sadd.s32 s5, s7;
	[dreg:$0x0] =	wrdreg $0x0  }
0xbd: {  	s7 =	sshll.u32 s28, $0x1;
	[dreg:$0x2] =	wrdreg s5  }
0xbe: {  	[dreg:$0x3] =	wrdreg s7  }
0xbf: {  	[dreg:$0x4] =	wrdreg $0xC0  }
0xc0: {  	_ =	task [dreg:s22], $0x5FFFF  }
0xc1: {  	[dreg:$0x1] =	wrdreg $0xFFFFFFFF  }
0xc2: {  	[dreg:$0x0] =	wrdreg $0x60  }
0xc3: {  	[dreg:$0x2] =	wrdreg s17  }
0xc4: {  	[dreg:$0x3] =	wrdreg s2  }
0xc5: {  	[dreg:$0x4] =	wrdreg s24  }
0xc6: {  	[dreg:$0x5] =	wrdreg $0xA  }
0xc7: {  	_ =	task.clear_ibuf [dreg:s22], $0x6FFFF;
	_ =	strace $0x90000049  }
0xc8: {  	s29 =	simm.s32 $0xA;
	_ =	strace $0x8000004B  }
0xc9: {  	_ =	swait.ge [sflag:s29], $0x1  }
0xca: {  	[sflag:s29] =	ssyncadd.s32 $0xFFFFFFFF  }
0xcb: {  	_ =	strace $0x9000004B  }
0xcc: {  	_ =	sfence  }
0xcd: {  	s30 =	sld [smem:$0x0];
	_ =	sdelay $0x2  }
0xce: {  	s31 =	sshll.u32 s1, $0xD;
	s1 =	sshrl.u32 s1, $0x2  }
0xcf: {  	s4 =	sand.u32 $0x4000, s31;
	s1 =	sadd.s32 s1, s30  }
0xd0: {  	s0 =	sor.u32 s4, s0;
	s1 =	sshll.u32 s1, $0x11  }
0xd1: {  	s0 =	sor.u32 s1, s0  }
0xd2: {  	s0 =	sadd.s32 $0x8F2B, s0  }
0xd3: {  	[sflag:s0] =	ssyncadd.remote.s32 $0x1  }
0xd4: {  	_ =	sfence.sel $0xFFFF  }
0xd5: {  	[dreg:$0x0] =	wrdreg $0xFFFFFFFF;
	(pc) =	sbr.abs _section_cstart, $3  }
0xd6: {  	[dreg:$0x1] =	wrdreg $0xFFFFFFFF  }
0xd7: {  	_ =	task.clear_ibuf [dreg:s22], $0x2FFFF;
	_ =	strace $0x9FFFFFFF  }
0xd8: {  	(tm) =	ssettm $0x7FFFFFFF  }
0xd9: {  	_ =	shalt  }
tec
execute0_lowered:
.L_overlay_start_1:
0x0: {  	(tag) =	ssettag $0x1  }
0x1: {  	s5 =	rddreg [dreg:$0x0]  }
0x2: {  	s0 =	rddreg [dreg:$0x1]  }
0x3: {  	s3 =	rddreg [dreg:$0x2];
	s2 =	srdreg.scid  }
0x4: {  	s1 =	stileid.u32;
	s8 =	simm.s32 $0x900;
	s9 =	simm.s32 $0x180  }
0x5: {  	s25 =	simm.s32 $0x980;
	s26 =	simm.s32 $0x200;
	s11 =	simm.s32 $0x300  }
0x6: {  	s12 =	simm.s32 $0xB00;
	s13 =	simm.s32 $0x380;
	s14 =	simm.s32 $0xB80  }
0x7: {  	s15 =	simm.s32 $0x400;
	s16 =	simm.s32 $0xC00;
	s17 =	simm.s32 $0x480  }
0x8: {  	s18 =	simm.s32 $0xC80;
	s19 =	simm.s32 $0x500;
	s20 =	simm.s32 $0xD00  }
0x9: {  	s21 =	simm.s32 $0x580;
	s22 =	simm.s32 $0xD80;
	s23 =	simm.s32 $0x600  }
0xa: {  	s24 =	simm.s32 $0xE00;
	s4 =	sand.u32 $0x1, s2;
	s2 =	simm.s32 $0x0  }
0xb: {  	s6 =	sshll.u32 s1, $0x9;
	s7 =	sshll.u32 s4, $0x8;
	[smem:$0x7FF] =	sst s2  }
0xc: {  	s6 =	sor.u32 s7, s6;
	_ =	strace $0x8000004A;
	[dreg:$0x8] =	wrdreg s8  }
0xd: {  	s3 =	sadd.s32 s6, s3;
	s0 =	sadd.s32 s0, s6;
	s6 =	ssub.s32 $0x2, s4  }
0xe: {  	s1 =	sadd.s32 $0x4200, s3;
	s3 =	simm.s32 $0x880;
	s4 =	sshrl.u32 s6, $0x1  }
0xf: {  	p0 =	por $0x0, $0x0;
	[dreg:$0x6] =	wrdreg s3;
	s3 =	ssub.s32 s6, s4  }
0x10: {  	s28 =	simm.s32 $0x700;
	[dreg:$0x9] =	wrdreg s9;
	s10 =	smax.u32 s3, $0x1  }
0x11: {  	s29 =	simm.s32 $0xF00;
	[dreg:$0xa] =	wrdreg s25;
	p1 =	sne.s32 s10, $0x1  }
.Ltmp0:
0x12: {  	s7 =	simm.s32 $0x100;
	[dreg:$0xb] =	wrdreg s26;
	(pc) =	sbr.rel @!p1 .LBB2_3-.Ltmp0, $4  }
0x13: {  	s30 =	simm.s32 $0x780;
	s31 =	simm.s32 $0xF80;
	[dreg:$0x7] =	wrdreg s7  }
0x14: {  	s25 =	simm.s32 $0x680;
	s26 =	simm.s32 $0xE80;
	[dreg:$0x4] =	wrdreg s0  }
0x15: {  	s7 =	simm.s32 $0x80;
	[dreg:$0x5] =	wrdreg s1;
	s4 =	simm.s32 $0x800  }
0x16: {  	s6 =	simm.s32 $0x1;
	s3 =	simm.s32 $0x2;
	s0 =	sadd.s32 $0xFFFFFFFF, s10  }
0x17: {  	s1 =	rddreg [dreg:$0x4]  }
0x18: {  	[tilespmem:s2], [sflag:$0x2] =	stream.linear.gather [hbm4b:s1+s2], $0x800, $0x38;
	[tilespmem:$0x1000] =	vst v63  }
0x19: {  	_ =	swait.ge [sflag:s3], $0x800  }
0x1a: {  	s10 =	rddreg [dreg:$0x7]  }
0x1b: {  	s1 =	rddreg [dreg:$0x8]  }
0x1c: {  	s8 =	rddreg [dreg:$0xa]  }
0x1d: {  	[dreg:$0xc] =	wrdreg s10  }
0x1e: {  	[sflag:s3] =	ssyncset.done $0x0;
	s10 =	smov.u32 s0;
	s0 =	rddreg [dreg:$0x6]  }
0x1f: {  	[sflag:s3] =	ssyncadd.s32 $0xFFFFF800;
	[dreg:$0xd] =	wrdreg s8  }
0x20: {  	[tilespmem:s4], [sflag:$0x1] =	stream.indirect.gather [hbm4b:s5+s7], $0x1, s2, s7, $0xb8;
	[tilespmem:$0x1000] =	vst v63  }
0x21: {  	s8 =	rddreg [dreg:$0xc]  }
0x22: {  	[tilespmem:s0], [sflag:$0x1] =	stream.indirect.gather [hbm4b:s5+s7], $0x1, s7, s7, $0xb8;
	[tilespmem:$0x1000] =	vst v63  }
0x23: {  	s0 =	rddreg [dreg:$0x9]  }
0x24: {  	[tilespmem:s1], [sflag:$0x1] =	stream.indirect.gather [hbm4b:s5+s7], $0x1, s8, s7, $0xb8;
	[tilespmem:$0x1000] =	vst v63  }
0x25: {  	s8 =	rddreg [dreg:$0xd]  }
0x26: {  	[tilespmem:s8], [sflag:$0x1] =	stream.indirect.gather [hbm4b:s5+s7], $0x1, s0, s7, $0xb8;
	[tilespmem:$0x1000] =	vst v63  }
0x27: {  	s9 =	simm.s32 $0xA00;
	s1 =	rddreg [dreg:$0xb]  }
0x28: {  	[tilespmem:s9], [sflag:$0x1] =	stream.indirect.gather [hbm4b:s5+s7], $0x1, s1, s7, $0xb8;
	[tilespmem:$0x1000] =	vst v63  }
0x29: {  	s8 =	simm.s32 $0x280;
	s1 =	simm.s32 $0xA80  }
0x2a: {  	[tilespmem:s1], [sflag:$0x1] =	stream.indirect.gather [hbm4b:s5+s7], $0x1, s8, s7, $0xb8;
	[tilespmem:$0x1000] =	vst v63  }
0x2b: {  	_ = 	snop  }
0x2c: {  	[tilespmem:s12], [sflag:$0x1] =	stream.indirect.gather [hbm4b:s5+s7], $0x1, s11, s7, $0xb8;
	[tilespmem:$0x1000] =	vst v63  }
0x2d: {  	_ = 	snop  }
0x2e: {  	[tilespmem:s14], [sflag:$0x1] =	stream.indirect.gather [hbm4b:s5+s7], $0x1, s13, s7, $0xb8;
	[tilespmem:$0x1000] =	vst v63  }
0x2f: {  	_ = 	snop  }
0x30: {  	[tilespmem:s16], [sflag:$0x1] =	stream.indirect.gather [hbm4b:s5+s7], $0x1, s15, s7, $0xb8;
	[tilespmem:$0x1000] =	vst v63  }
0x31: {  	_ = 	snop  }
0x32: {  	[tilespmem:s18], [sflag:$0x1] =	stream.indirect.gather [hbm4b:s5+s7], $0x1, s17, s7, $0xb8;
	[tilespmem:$0x1000] =	vst v63  }
0x33: {  	_ = 	snop  }
0x34: {  	[tilespmem:s20], [sflag:$0x1] =	stream.indirect.gather [hbm4b:s5+s7], $0x1, s19, s7, $0xb8;
	[tilespmem:$0x1000] =	vst v63  }
0x35: {  	_ = 	snop  }
0x36: {  	[tilespmem:s22], [sflag:$0x1] =	stream.indirect.gather [hbm4b:s5+s7], $0x1, s21, s7, $0xb8;
	[tilespmem:$0x1000] =	vst v63  }
0x37: {  	_ = 	snop  }
0x38: {  	[tilespmem:s24], [sflag:$0x1] =	stream.indirect.gather [hbm4b:s5+s7], $0x1, s23, s7, $0xb8;
	[tilespmem:$0x1000] =	vst v63  }
0x39: {  	_ = 	snop  }
0x3a: {  	[tilespmem:s26], [sflag:$0x1] =	stream.indirect.gather [hbm4b:s5+s7], $0x1, s25, s7, $0xb8;
	[tilespmem:$0x1000] =	vst v63  }
0x3b: {  	_ = 	snop  }
0x3c: {  	[tilespmem:s29], [sflag:$0x1] =	stream.indirect.gather [hbm4b:s5+s7], $0x1, s28, s7, $0xb8;
	[tilespmem:$0x1000] =	vst v63  }
0x3d: {  	_ = 	snop  }
0x3e: {  	[tilespmem:s31], [sflag:$0x1] =	stream.indirect.gather [hbm4b:s5+s7], $0x1, s30, s7, $0xb8;
	[tilespmem:$0x1000] =	vst v63  }
0x3f: {  	_ =	swait.ge [sflag:s6], $0x80  }
0x40: {  	[sflag:s6] =	ssyncset.done $0x0  }
0x41: {  	[sflag:s6] =	ssyncadd.s32 $0xFFFFFF80  }
0x42: {  	_ =	swait.ge [sflag:s6], $0x80  }
0x43: {  	[sflag:s6] =	ssyncset.done $0x0  }
0x44: {  	[sflag:s6] =	ssyncadd.s32 $0xFFFFFF80  }
0x45: {  	_ =	swait.ge [sflag:s6], $0x80  }
0x46: {  	[sflag:s6] =	ssyncset.done $0x0  }
0x47: {  	[sflag:s6] =	ssyncadd.s32 $0xFFFFFF80  }
0x48: {  	_ =	swait.ge [sflag:s6], $0x80  }
0x49: {  	[sflag:s6] =	ssyncset.done $0x0  }
0x4a: {  	[sflag:s6] =	ssyncadd.s32 $0xFFFFFF80  }
0x4b: {  	_ =	swait.ge [sflag:s6], $0x80  }
0x4c: {  	[sflag:s6] =	ssyncset.done $0x0  }
0x4d: {  	[sflag:s6] =	ssyncadd.s32 $0xFFFFFF80  }
0x4e: {  	_ =	swait.ge [sflag:s6], $0x80  }
0x4f: {  	[sflag:s6] =	ssyncset.done $0x0  }
0x50: {  	[sflag:s6] =	ssyncadd.s32 $0xFFFFFF80  }
0x51: {  	_ =	swait.ge [sflag:s6], $0x80  }
0x52: {  	[sflag:s6] =	ssyncset.done $0x0  }
0x53: {  	[sflag:s6] =	ssyncadd.s32 $0xFFFFFF80  }
0x54: {  	_ =	swait.ge [sflag:s6], $0x80  }
0x55: {  	[sflag:s6] =	ssyncset.done $0x0  }
0x56: {  	[sflag:s6] =	ssyncadd.s32 $0xFFFFFF80  }
0x57: {  	_ =	swait.ge [sflag:s6], $0x80  }
0x58: {  	[sflag:s6] =	ssyncset.done $0x0  }
0x59: {  	[sflag:s6] =	ssyncadd.s32 $0xFFFFFF80  }
0x5a: {  	_ =	swait.ge [sflag:s6], $0x80  }
0x5b: {  	[sflag:s6] =	ssyncset.done $0x0  }
0x5c: {  	[sflag:s6] =	ssyncadd.s32 $0xFFFFFF80  }
0x5d: {  	_ =	swait.ge [sflag:s6], $0x80  }
0x5e: {  	[sflag:s6] =	ssyncset.done $0x0  }
0x5f: {  	[sflag:s6] =	ssyncadd.s32 $0xFFFFFF80  }
0x60: {  	_ =	swait.ge [sflag:s6], $0x80  }
0x61: {  	[sflag:s6] =	ssyncset.done $0x0  }
0x62: {  	[sflag:s6] =	ssyncadd.s32 $0xFFFFFF80  }
0x63: {  	_ =	swait.ge [sflag:s6], $0x80  }
0x64: {  	[sflag:s6] =	ssyncset.done $0x0  }
0x65: {  	[sflag:s6] =	ssyncadd.s32 $0xFFFFFF80  }
0x66: {  	_ =	swait.ge [sflag:s6], $0x80  }
0x67: {  	[sflag:s6] =	ssyncset.done $0x0  }
0x68: {  	[sflag:s6] =	ssyncadd.s32 $0xFFFFFF80  }
0x69: {  	_ =	swait.ge [sflag:s6], $0x80  }
0x6a: {  	p1 =	sne.s32 s10, $0x1;
	[sflag:s6] =	ssyncset.done $0x0  }
.Ltmp1:
0x6b: {  	[sflag:s6] =	ssyncadd.s32 $0xFFFFFF80;
	(pc) =	sbr.rel @!p1 .LBB2_3-.Ltmp1, $4  }
0x6c: {  	_ =	swait.ge [sflag:s6], $0x80  }
0x6d: {  	p0 =	por $0x1, $0x1;
	[sflag:s6] =	ssyncset.done $0x0  }
0x6e: {  	s0 =	sadd.s32 $0xFFFFFFFF, s10;
	s9 =	rddreg [dreg:$0x5];
	[sflag:s6] =	ssyncadd.s32 $0xFFFFFF80  }
0x6f: {  	[hbm4b:s9+s2] =	stream.linear.scatter [tilespmem:s4], [sflag:$0x2], $0x800, $0x38;
	[tilespmem:$0x1000] =	vst v63  }
.LBB2_2:
0x70: {  	_ =	swait.ge [sflag:s3], $0x800  }
0x71: {  	[sflag:s3] =	ssyncset.done $0x0  }
0x72: {  	s1 =	rddreg [dreg:$0x4];
	[sflag:s3] =	ssyncadd.s32 $0xFFFFF800  }
0x73: {  	[tilespmem:s2], [sflag:$0x2] =	stream.linear.gather [hbm4b:s1+s2], $0x800, $0x38;
	[tilespmem:$0x1000] =	vst v63  }
0x74: {  	_ =	swait.ge [sflag:s3], $0x800  }
0x75: {  	s1 =	rddreg [dreg:$0x7];
	[sflag:s3] =	ssyncset.done $0x0  }
0x76: {  	s8 =	rddreg [dreg:$0x6];
	[sflag:s3] =	ssyncadd.s32 $0xFFFFF800  }
0x77: {  	[tilespmem:s4], [sflag:$0x1] =	stream.indirect.gather [hbm4b:s5+s7], $0x1, s2, s7, $0xb8;
	[tilespmem:$0x1000] =	vst v63  }
0x78: {  	s9 =	rddreg [dreg:$0x8]  }
0x79: {  	[tilespmem:s8], [sflag:$0x1] =	stream.indirect.gather [hbm4b:s5+s7], $0x1, s7, s7, $0xb8;
	[tilespmem:$0x1000] =	vst v63  }
0x7a: {  	s10 =	rddreg [dreg:$0xa]  }
0x7b: {  	[tilespmem:s9], [sflag:$0x1] =	stream.indirect.gather [hbm4b:s5+s7], $0x1, s1, s7, $0xb8;
	[tilespmem:$0x1000] =	vst v63  }
0x7c: {  	s8 =	rddreg [dreg:$0x9]  }
0x7d: {  	[tilespmem:s10], [sflag:$0x1] =	stream.indirect.gather [hbm4b:s5+s7], $0x1, s8, s7, $0xb8;
	[tilespmem:$0x1000] =	vst v63  }
0x7e: {  	s1 =	rddreg [dreg:$0xb];
	s10 =	simm.s32 $0xA00  }
0x7f: {  	[tilespmem:s10], [sflag:$0x1] =	stream.indirect.gather [hbm4b:s5+s7], $0x1, s1, s7, $0xb8;
	[tilespmem:$0x1000] =	vst v63  }
0x80: {  	s9 =	simm.s32 $0x280;
	s8 =	simm.s32 $0xA80  }
0x81: {  	[tilespmem:s8], [sflag:$0x1] =	stream.indirect.gather [hbm4b:s5+s7], $0x1, s9, s7, $0xb8;
	[tilespmem:$0x1000] =	vst v63  }
0x82: {  	_ = 	snop  }
0x83: {  	[tilespmem:s12], [sflag:$0x1] =	stream.indirect.gather [hbm4b:s5+s7], $0x1, s11, s7, $0xb8;
	[tilespmem:$0x1000] =	vst v63  }
0x84: {  	_ = 	snop  }
0x85: {  	[tilespmem:s14], [sflag:$0x1] =	stream.indirect.gather [hbm4b:s5+s7], $0x1, s13, s7, $0xb8;
	[tilespmem:$0x1000] =	vst v63  }
0x86: {  	_ = 	snop  }
0x87: {  	[tilespmem:s16], [sflag:$0x1] =	stream.indirect.gather [hbm4b:s5+s7], $0x1, s15, s7, $0xb8;
	[tilespmem:$0x1000] =	vst v63  }
0x88: {  	_ = 	snop  }
0x89: {  	[tilespmem:s18], [sflag:$0x1] =	stream.indirect.gather [hbm4b:s5+s7], $0x1, s17, s7, $0xb8;
	[tilespmem:$0x1000] =	vst v63  }
0x8a: {  	_ = 	snop  }
0x8b: {  	[tilespmem:s20], [sflag:$0x1] =	stream.indirect.gather [hbm4b:s5+s7], $0x1, s19, s7, $0xb8;
	[tilespmem:$0x1000] =	vst v63  }
0x8c: {  	_ = 	snop  }
0x8d: {  	[tilespmem:s22], [sflag:$0x1] =	stream.indirect.gather [hbm4b:s5+s7], $0x1, s21, s7, $0xb8;
	[tilespmem:$0x1000] =	vst v63  }
0x8e: {  	_ = 	snop  }
0x8f: {  	[tilespmem:s24], [sflag:$0x1] =	stream.indirect.gather [hbm4b:s5+s7], $0x1, s23, s7, $0xb8;
	[tilespmem:$0x1000] =	vst v63  }
0x90: {  	_ = 	snop  }
0x91: {  	[tilespmem:s26], [sflag:$0x1] =	stream.indirect.gather [hbm4b:s5+s7], $0x1, s25, s7, $0xb8;
	[tilespmem:$0x1000] =	vst v63  }
0x92: {  	_ = 	snop  }
0x93: {  	[tilespmem:s29], [sflag:$0x1] =	stream.indirect.gather [hbm4b:s5+s7], $0x1, s28, s7, $0xb8;
	[tilespmem:$0x1000] =	vst v63  }
0x94: {  	_ = 	snop  }
0x95: {  	[tilespmem:s31], [sflag:$0x1] =	stream.indirect.gather [hbm4b:s5+s7], $0x1, s30, s7, $0xb8;
	[tilespmem:$0x1000] =	vst v63  }
0x96: {  	_ =	swait.ge [sflag:s6], $0x80  }
0x97: {  	[sflag:s6] =	ssyncset.done $0x0  }
0x98: {  	[sflag:s6] =	ssyncadd.s32 $0xFFFFFF80  }
0x99: {  	_ =	swait.ge [sflag:s6], $0x80  }
0x9a: {  	[sflag:s6] =	ssyncset.done $0x0  }
0x9b: {  	[sflag:s6] =	ssyncadd.s32 $0xFFFFFF80  }
0x9c: {  	_ =	swait.ge [sflag:s6], $0x80  }
0x9d: {  	[sflag:s6] =	ssyncset.done $0x0  }
0x9e: {  	[sflag:s6] =	ssyncadd.s32 $0xFFFFFF80  }
0x9f: {  	_ =	swait.ge [sflag:s6], $0x80  }
0xa0: {  	[sflag:s6] =	ssyncset.done $0x0  }
0xa1: {  	[sflag:s6] =	ssyncadd.s32 $0xFFFFFF80  }
0xa2: {  	_ =	swait.ge [sflag:s6], $0x80  }
0xa3: {  	[sflag:s6] =	ssyncset.done $0x0  }
0xa4: {  	[sflag:s6] =	ssyncadd.s32 $0xFFFFFF80  }
0xa5: {  	_ =	swait.ge [sflag:s6], $0x80  }
0xa6: {  	[sflag:s6] =	ssyncset.done $0x0  }
0xa7: {  	[sflag:s6] =	ssyncadd.s32 $0xFFFFFF80  }
0xa8: {  	_ =	swait.ge [sflag:s6], $0x80  }
0xa9: {  	[sflag:s6] =	ssyncset.done $0x0  }
0xaa: {  	[sflag:s6] =	ssyncadd.s32 $0xFFFFFF80  }
0xab: {  	_ =	swait.ge [sflag:s6], $0x80  }
0xac: {  	[sflag:s6] =	ssyncset.done $0x0  }
0xad: {  	[sflag:s6] =	ssyncadd.s32 $0xFFFFFF80  }
0xae: {  	_ =	swait.ge [sflag:s6], $0x80  }
0xaf: {  	[sflag:s6] =	ssyncset.done $0x0  }
0xb0: {  	[sflag:s6] =	ssyncadd.s32 $0xFFFFFF80  }
0xb1: {  	_ =	swait.ge [sflag:s6], $0x80  }
0xb2: {  	[sflag:s6] =	ssyncset.done $0x0  }
0xb3: {  	[sflag:s6] =	ssyncadd.s32 $0xFFFFFF80  }
0xb4: {  	_ =	swait.ge [sflag:s6], $0x80  }
0xb5: {  	[sflag:s6] =	ssyncset.done $0x0  }
0xb6: {  	[sflag:s6] =	ssyncadd.s32 $0xFFFFFF80  }
0xb7: {  	_ =	swait.ge [sflag:s6], $0x80  }
0xb8: {  	[sflag:s6] =	ssyncset.done $0x0  }
0xb9: {  	[sflag:s6] =	ssyncadd.s32 $0xFFFFFF80  }
0xba: {  	_ =	swait.ge [sflag:s6], $0x80  }
0xbb: {  	[sflag:s6] =	ssyncset.done $0x0  }
0xbc: {  	[sflag:s6] =	ssyncadd.s32 $0xFFFFFF80  }
0xbd: {  	_ =	swait.ge [sflag:s6], $0x80  }
0xbe: {  	[sflag:s6] =	ssyncset.done $0x0  }
0xbf: {  	[sflag:s6] =	ssyncadd.s32 $0xFFFFFF80  }
0xc0: {  	_ =	swait.ge [sflag:s6], $0x80  }
0xc1: {  	p1 =	sne.s32 s0, $0x1;
	[sflag:s6] =	ssyncset.done $0x0  }
.Ltmp2:
0xc2: {  	[sflag:s6] =	ssyncadd.s32 $0xFFFFFF80;
	(pc) =	sbr.rel @p1 .LBB2_2-.Ltmp2, $4  }
0xc3: {  	_ =	swait.ge [sflag:s6], $0x80  }
0xc4: {  	[sflag:s6] =	ssyncset.done $0x0  }
0xc5: {  	s0 =	sadd.s32 $0xFFFFFFFF, s0;
	s10 =	rddreg [dreg:$0x5];
	[sflag:s6] =	ssyncadd.s32 $0xFFFFFF80  }
0xc6: {  	[hbm4b:s10+s2] =	stream.linear.scatter [tilespmem:s4], [sflag:$0x2], $0x800, $0x38;
	[tilespmem:$0x1000] =	vst v63  }
.LBB2_3:
0xc7: {  	_ =	swait.ge @p0 [sflag:s3], $0x800  }
0xc8: {  	[sflag:s3] =	ssyncset.done @p0 $0x0  }
0xc9: {  	s0 =	rddreg [dreg:$0x4];
	[sflag:s3] =	ssyncadd.s32 @p0 $0xFFFFF800  }
0xca: {  	[tilespmem:s2], [sflag:$0x2] =	stream.linear.gather [hbm4b:s0+s2], $0x800, $0x38;
	[tilespmem:$0x1000] =	vst v63  }
0xcb: {  	_ =	swait.ge [sflag:s3], $0x800  }
0xcc: {  	[sflag:s3] =	ssyncset.done $0x0;
	s10 =	rddreg [dreg:$0x6]  }
0xcd: {  	s0 =	rddreg [dreg:$0x7];
	[sflag:s3] =	ssyncadd.s32 $0xFFFFF800  }
0xce: {  	[tilespmem:s4], [sflag:$0x1] =	stream.indirect.gather [hbm4b:s5+s7], $0x1, s2, s7, $0xb8;
	[tilespmem:$0x1000] =	vst v63  }
0xcf: {  	s1 =	rddreg [dreg:$0x8]  }
0xd0: {  	[tilespmem:s10], [sflag:$0x1] =	stream.indirect.gather [hbm4b:s5+s7], $0x1, s7, s7, $0xb8;
	[tilespmem:$0x1000] =	vst v63  }
0xd1: {  	s8 =	rddreg [dreg:$0xa]  }
0xd2: {  	[tilespmem:s1], [sflag:$0x1] =	stream.indirect.gather [hbm4b:s5+s7], $0x1, s0, s7, $0xb8;
	[tilespmem:$0x1000] =	vst v63  }
0xd3: {  	s9 =	rddreg [dreg:$0x9]  }
0xd4: {  	[tilespmem:s8], [sflag:$0x1] =	stream.indirect.gather [hbm4b:s5+s7], $0x1, s9, s7, $0xb8;
	[tilespmem:$0x1000] =	vst v63  }
0xd5: {  	s10 =	simm.s32 $0xA00;
	s1 =	rddreg [dreg:$0xb]  }
0xd6: {  	[tilespmem:s10], [sflag:$0x1] =	stream.indirect.gather [hbm4b:s5+s7], $0x1, s1, s7, $0xb8;
	[tilespmem:$0x1000] =	vst v63  }
0xd7: {  	s9 =	simm.s32 $0xA80;
	s10 =	simm.s32 $0x280  }
0xd8: {  	[tilespmem:s9], [sflag:$0x1] =	stream.indirect.gather [hbm4b:s5+s7], $0x1, s10, s7, $0xb8;
	[tilespmem:$0x1000] =	vst v63  }
0xd9: {  	_ = 	snop  }
0xda: {  	[tilespmem:s12], [sflag:$0x1] =	stream.indirect.gather [hbm4b:s5+s7], $0x1, s11, s7, $0xb8;
	[tilespmem:$0x1000] =	vst v63  }
0xdb: {  	_ = 	snop  }
0xdc: {  	[tilespmem:s14], [sflag:$0x1] =	stream.indirect.gather [hbm4b:s5+s7], $0x1, s13, s7, $0xb8;
	[tilespmem:$0x1000] =	vst v63  }
0xdd: {  	_ = 	snop  }
0xde: {  	[tilespmem:s16], [sflag:$0x1] =	stream.indirect.gather [hbm4b:s5+s7], $0x1, s15, s7, $0xb8;
	[tilespmem:$0x1000] =	vst v63  }
0xdf: {  	_ = 	snop  }
0xe0: {  	[tilespmem:s18], [sflag:$0x1] =	stream.indirect.gather [hbm4b:s5+s7], $0x1, s17, s7, $0xb8;
	[tilespmem:$0x1000] =	vst v63  }
0xe1: {  	_ = 	snop  }
0xe2: {  	[tilespmem:s20], [sflag:$0x1] =	stream.indirect.gather [hbm4b:s5+s7], $0x1, s19, s7, $0xb8;
	[tilespmem:$0x1000] =	vst v63  }
0xe3: {  	_ = 	snop  }
0xe4: {  	[tilespmem:s22], [sflag:$0x1] =	stream.indirect.gather [hbm4b:s5+s7], $0x1, s21, s7, $0xb8;
	[tilespmem:$0x1000] =	vst v63  }
0xe5: {  	_ = 	snop  }
0xe6: {  	[tilespmem:s24], [sflag:$0x1] =	stream.indirect.gather [hbm4b:s5+s7], $0x1, s23, s7, $0xb8;
	[tilespmem:$0x1000] =	vst v63  }
0xe7: {  	_ = 	snop  }
0xe8: {  	[tilespmem:s26], [sflag:$0x1] =	stream.indirect.gather [hbm4b:s5+s7], $0x1, s25, s7, $0xb8;
	[tilespmem:$0x1000] =	vst v63  }
0xe9: {  	_ = 	snop  }
0xea: {  	[tilespmem:s29], [sflag:$0x1] =	stream.indirect.gather [hbm4b:s5+s7], $0x1, s28, s7, $0xb8;
	[tilespmem:$0x1000] =	vst v63  }
0xeb: {  	_ = 	snop  }
0xec: {  	[tilespmem:s31], [sflag:$0x1] =	stream.indirect.gather [hbm4b:s5+s7], $0x1, s30, s7, $0xb8;
	[tilespmem:$0x1000] =	vst v63  }
0xed: {  	_ =	swait.ge [sflag:s6], $0x80  }
0xee: {  	[sflag:s6] =	ssyncset.done $0x0  }
0xef: {  	[sflag:s6] =	ssyncadd.s32 $0xFFFFFF80  }
0xf0: {  	_ =	swait.ge [sflag:s6], $0x80  }
0xf1: {  	[sflag:s6] =	ssyncset.done $0x0  }
0xf2: {  	[sflag:s6] =	ssyncadd.s32 $0xFFFFFF80  }
0xf3: {  	_ =	swait.ge [sflag:s6], $0x80  }
0xf4: {  	[sflag:s6] =	ssyncset.done $0x0  }
0xf5: {  	[sflag:s6] =	ssyncadd.s32 $0xFFFFFF80  }
0xf6: {  	_ =	swait.ge [sflag:s6], $0x80  }
0xf7: {  	[sflag:s6] =	ssyncset.done $0x0  }
0xf8: {  	[sflag:s6] =	ssyncadd.s32 $0xFFFFFF80  }
0xf9: {  	_ =	swait.ge [sflag:s6], $0x80  }
0xfa: {  	[sflag:s6] =	ssyncset.done $0x0  }
0xfb: {  	[sflag:s6] =	ssyncadd.s32 $0xFFFFFF80  }
0xfc: {  	_ =	swait.ge [sflag:s6], $0x80  }
0xfd: {  	[sflag:s6] =	ssyncset.done $0x0  }
0xfe: {  	[sflag:s6] =	ssyncadd.s32 $0xFFFFFF80  }
0xff: {  	_ =	swait.ge [sflag:s6], $0x80  }
0x100: {  	[sflag:s6] =	ssyncset.done $0x0  }
0x101: {  	[sflag:s6] =	ssyncadd.s32 $0xFFFFFF80  }
0x102: {  	_ =	swait.ge [sflag:s6], $0x80  }
0x103: {  	[sflag:s6] =	ssyncset.done $0x0  }
0x104: {  	[sflag:s6] =	ssyncadd.s32 $0xFFFFFF80  }
0x105: {  	_ =	swait.ge [sflag:s6], $0x80  }
0x106: {  	[sflag:s6] =	ssyncset.done $0x0  }
0x107: {  	[sflag:s6] =	ssyncadd.s32 $0xFFFFFF80  }
0x108: {  	_ =	swait.ge [sflag:s6], $0x80  }
0x109: {  	[sflag:s6] =	ssyncset.done $0x0  }
0x10a: {  	[sflag:s6] =	ssyncadd.s32 $0xFFFFFF80  }
0x10b: {  	_ =	swait.ge [sflag:s6], $0x80  }
0x10c: {  	[sflag:s6] =	ssyncset.done $0x0  }
0x10d: {  	[sflag:s6] =	ssyncadd.s32 $0xFFFFFF80  }
0x10e: {  	_ =	swait.ge [sflag:s6], $0x80  }
0x10f: {  	[sflag:s6] =	ssyncset.done $0x0  }
0x110: {  	[sflag:s6] =	ssyncadd.s32 $0xFFFFFF80  }
0x111: {  	_ =	swait.ge [sflag:s6], $0x80  }
0x112: {  	[sflag:s6] =	ssyncset.done $0x0  }
0x113: {  	[sflag:s6] =	ssyncadd.s32 $0xFFFFFF80  }
0x114: {  	_ =	swait.ge [sflag:s6], $0x80  }
0x115: {  	[sflag:s6] =	ssyncset.done $0x0  }
0x116: {  	[sflag:s6] =	ssyncadd.s32 $0xFFFFFF80  }
0x117: {  	_ =	swait.ge [sflag:s6], $0x80  }
0x118: {  	[sflag:s6] =	ssyncset.done $0x0  }
0x119: {  	[sflag:s6] =	ssyncadd.s32 $0xFFFFFF80  }
0x11a: {  	_ =	swait.ge [sflag:s6], $0x80  }
0x11b: {  	[sflag:s6] =	ssyncset.done $0x0  }
0x11c: {  	s30 =	rddreg [dreg:$0x5];
	[sflag:s6] =	ssyncadd.s32 $0xFFFFFF80  }
0x11d: {  	[hbm4b:s30+s2] =	stream.linear.scatter [tilespmem:s4], [sflag:$0x2], $0x800, $0x38;
	[tilespmem:$0x1000] =	vst v63  }
0x11e: {  	_ =	swait.ge [sflag:s3], $0x800  }
0x11f: {  	[sflag:s3] =	ssyncset.done $0x0  }
0x120: {  	[sflag:s3] =	ssyncadd.s32 $0xFFFFF800  }
0x121: {  	_ =	sfence.sel $0x180000  }
0x122: {  	[bflag:$0x0] =	sbarrier.arrive $0xFFFF  }
0x123: {  	_ =	strace $0x9000004A  }
0x124: {  	s31 =	stileid.u32;
	[bflag:$0x2] =	sbarrier.arrive $0xFFFF  }
0x125: {  	p0 =	sne.s32 s31, $0x0;
	s0 =	rddreg [dreg:$0x3]  }
0x126: {  	s0 =	sadd.s32 @!p0 $0x100000, s0  }
0x127: {  	[sflag:s0] =	ssyncadd.tile.s32 @!p0 $0x1;
	_ =	shalt  }
.Lfunc_end2:
_tile_overlayer_lowered:
.L_overlay_start_2:
0x128: {  	(tag) =	ssettag $0x2  }
0x129: {  	s0 =	rddreg [dreg:$0x0];
	s2 =	stileid.u32  }
0x12a: {  	s1 =	rddreg [dreg:$0x1];
	p0 =	sne.s32 s2, $0x0  }
0x12b: {  	s3 =	rddreg [dreg:$0x2];
	[bflag:$0x3] =	sbarrier.arrive $0xFFFF;
	s2 =	simm.s32 @!p0 $0x1C02  }
0x12c: {  	[timem:s3], [sflag:s2] =	dma.local @!p0 [hbm:s0], s1  }
0x12d: {  	s0 =	simm.s32 @!p0 $0x2  }
0x12e: {  	_ =	swait.ge @!p0 [sflag:s0], s1  }
0x12f: {  	s1 =	ssub.s32 @!p0 $0x0, s1;
	[sflag:s0] =	ssyncset.done @!p0 $0x0  }
0x130: {  	[sflag:s0] =	ssyncadd.s32 @!p0 s1  }
0x131: {  	[bflag:$0x3] =	sbarrier.arrive $0xFFFF  }
0x132: {  	_ =	shalt  }

</sc_bundles>
